<compile_context>
chip_gen: v7x
topology: tpu7x:2x2x1
jax: 0.10.2.dev20260603
libtpu: 0.0.44.dev20260713+nightly
codegen_flags: <defaults>
</compile_context>

<pallas_src>
import functools

import jax
import jax.numpy as jnp
from jax import lax
from jax.experimental import pallas as pl
from jax.experimental.pallas import tpu as pltpu
from jax.experimental.pallas import tpu_sc as plsc

_RESIZE = 518.0
_PATCH = 14.0
_GRID = 37
_CHUNK = 128


def _prep_body(pt_ref, pts_ref, k_ref, rt_ref, isz_ref, w1b_ref, b1_ref,
               table_ref, idx_ref, *, m_pad):
    b = pl.program_id(0)
    tok = pt_ref[0]
    m = tok.shape[1]
    mean_tok = jnp.mean(tok, axis=0)
    res = (jnp.dot(mean_tok, w1b_ref[...], preferred_element_type=jnp.float32)
           + b1_ref[...])
    resb = jnp.concatenate(
        [res, jnp.zeros((m_pad - m, res.shape[1]), jnp.float32)],
        axis=0).astype(jnp.bfloat16)
    half = resb.shape[1] // 2
    lo = lax.bitcast_convert_type(resb[:, :half], jnp.uint16).astype(jnp.uint32)
    hi = lax.bitcast_convert_type(resb[:, half:], jnp.uint16).astype(jnp.uint32)
    table_ref[0] = lo | (hi << 16)

    ph = pts_ref[0].astype(jnp.bfloat16)
    rb = rt_ref[0].astype(jnp.bfloat16)
    cam = jnp.dot(rb, ph, preferred_element_type=jnp.float32)
    camb = cam[:3].astype(jnp.bfloat16)
    kb = k_ref[0].astype(jnp.bfloat16)
    pix = jnp.dot(kb, camb, preferred_element_type=jnp.float32)
    denom = pix[2:3, :] + 1e-12
    w_orig = isz_ref[0, 0].astype(jnp.float32)
    h_orig = isz_ref[0, 1].astype(jnp.float32)
    u = (pix[0:1, :] / denom) * (_RESIZE / w_orig)
    v = (pix[1:2, :] / denom) * (_RESIZE / h_orig)
    px = jnp.clip((u / _PATCH).astype(jnp.int32), 0, _GRID - 1)
    py = jnp.clip((v / _PATCH).astype(jnp.int32), 0, _GRID - 1)
    idx_ref[0] = px * _GRID + py + b * m_pad


def _mlp_body(g_ref, vox_ref, w1a_ref, w2_ref, b2_ref, out_ref):
    g = g_ref[0]
    lo = lax.bitcast_convert_type(
        (g & 0xFFFF).astype(jnp.uint16), jnp.bfloat16).astype(jnp.float32)
    hi = lax.bitcast_convert_type(
        (g >> 16).astype(jnp.uint16), jnp.bfloat16).astype(jnp.float32)
    gf = jnp.concatenate([lo, hi], axis=-1)
    h = (jnp.dot(vox_ref[0], w1a_ref[...], preferred_element_type=jnp.float32)
         + gf)
    h = jnp.maximum(h, 0.0)
    out_ref[0] = (
        jnp.dot(h, w2_ref[...], preferred_element_type=jnp.float32)
        + b2_ref[...]
    )


def _sc_gather_body(table_hbm, idx_hbm, out_hbm, idx_v, rows_v, table_sh,
                    gsem, osem, *, n_chunks, n_buf, per_w, n_w_per_b):
    sid = lax.axis_index("s")
    wid = sid * 2 + lax.axis_index("c")
    b = wid // n_w_per_b
    w16 = wid % n_w_per_b

    @pl.when(sid == 0)
    def _():
        pltpu.sync_copy(table_hbm, table_sh)

    off = pl.multiple_of(w16 * per_w, _CHUNK)
    pltpu.sync_copy(idx_hbm.at[b, 0, pl.ds(off, per_w)], idx_v)
    plsc.subcore_barrier()
    base = wid * per_w

    def gather(c, s):
        return pltpu.make_async_copy(
            table_sh.at[idx_v.at[pl.ds(c * _CHUNK, _CHUNK)]], rows_v.at[s],
            gsem.at[s])

    def put(c, s):
        return pltpu.make_async_copy(
            rows_v.at[s], out_hbm.at[pl.ds(base + c * _CHUNK, _CHUNK)],
            osem.at[s])

    for c in range(min(n_buf, n_chunks)):
        gather(c, c).start()
    for c in range(n_chunks):
        s = c % n_buf
        gather(c, s).wait()
        put(c, s).start()
        nc = c + n_buf
        if nc < n_chunks:
            put(c, s).wait()
            gather(nc, s).start()
    for c in range(max(0, n_chunks - n_buf), n_chunks):
        put(c, c % n_buf).wait()


def kernel(patch_tokens, voxel_features, voxel_coords, image_sizes, K, Rt,
           W1, b1, W2, b2):
    B, n_cam, M, dim = patch_tokens.shape
    V = voxel_features.shape[1]
    pf_dim = voxel_features.shape[2]
    hidden = W1.shape[1]
    out_dim = W2.shape[1]

    n_workers = 32
    n_w_per_b = n_workers // B
    per_w = -(-V // (n_w_per_b * _CHUNK)) * _CHUNK
    v_pad = per_w * n_w_per_b
    n_chunks = per_w // _CHUNK
    m_pad = -(-M // 8) * 8
    n_buf = 6

    pts_h = jnp.concatenate(
        [voxel_coords, jnp.ones((B, V, 1), voxel_coords.dtype)], axis=-1)
    ptsT = jnp.transpose(pts_h, (0, 2, 1))
    ptsT = jnp.pad(ptsT, ((0, 0), (0, 0), (0, v_pad - V)))
    K0 = K[:, 0]
    Rt0 = Rt[:, 0]
    W1a = W1[:pf_dim]
    W1b = W1[pf_dim:]

    smem = pl.BlockSpec(memory_space=pltpu.SMEM)
    table, idx = pl.pallas_call(
        functools.partial(_prep_body, m_pad=m_pad),
        grid=(B,),
        in_specs=[
            pl.BlockSpec((1, n_cam, M, dim), lambda b: (b, 0, 0, 0)),
            pl.BlockSpec((1, 4, v_pad), lambda b: (b, 0, 0)),
            pl.BlockSpec((1, 3, 3), lambda b: (b, 0, 0)),
            pl.BlockSpec((1, 4, 4), lambda b: (b, 0, 0)),
            smem,
            pl.BlockSpec((dim, hidden), lambda b: (0, 0)),
            pl.BlockSpec((1, hidden), lambda b: (0, 0)),
        ],
        out_specs=[
            pl.BlockSpec((1, m_pad, hidden // 2), lambda b: (b, 0, 0)),
            pl.BlockSpec((1, 1, v_pad), lambda b: (b, 0, 0)),
        ],
        out_shape=[
            jax.ShapeDtypeStruct((B, m_pad, hidden // 2), jnp.uint32),
            jax.ShapeDtypeStruct((B, 1, v_pad), jnp.int32),
        ],
    )(patch_tokens, ptsT, K0, Rt0, image_sizes, W1b,
      b1.reshape(1, hidden))

    table_flat = table.reshape(B * m_pad, hidden // 2)

    mesh = plsc.VectorSubcoreMesh(core_axis_name="c", subcore_axis_name="s")
    gathered = pl.kernel(
        functools.partial(_sc_gather_body, n_chunks=n_chunks, n_buf=n_buf,
                          per_w=per_w, n_w_per_b=n_w_per_b),
        out_type=jax.ShapeDtypeStruct((B * v_pad, hidden // 2), jnp.uint32),
        mesh=mesh,
        scratch_types=[
            pltpu.VMEM((per_w,), jnp.int32),
            pltpu.VMEM((n_buf, _CHUNK, hidden // 2), jnp.uint32),
            pltpu.VMEM_SHARED((B * m_pad, hidden // 2), jnp.uint32),
            pltpu.SemaphoreType.DMA((n_buf,)),
            pltpu.SemaphoreType.DMA((n_buf,)),
        ],
    )(table_flat, idx)

    rows_blk = 2000
    n_blk = V // rows_blk
    g3 = gathered.reshape(B, v_pad, hidden // 2)
    out = pl.pallas_call(
        _mlp_body,
        grid=(B, n_blk),
        in_specs=[
            pl.BlockSpec((1, rows_blk, hidden // 2), lambda b, i: (b, i, 0)),
            pl.BlockSpec((1, rows_blk, pf_dim), lambda b, i: (b, i, 0)),
            pl.BlockSpec((pf_dim, hidden), lambda b, i: (0, 0)),
            pl.BlockSpec((hidden, out_dim), lambda b, i: (0, 0)),
            pl.BlockSpec((1, out_dim), lambda b, i: (0, 0)),
        ],
        out_specs=pl.BlockSpec((1, rows_blk, out_dim), lambda b, i: (b, i, 0)),
        out_shape=jax.ShapeDtypeStruct((B, V, out_dim), jnp.float32),
    )(g3, voxel_features, W1a, W2, b2.reshape(1, out_dim))

    return out

# --- scband reference (transcript-rebuilt; emitter-appended) ---
"""Pipeline reference for scband-feature-fusion-model-64407329571195 (READ-ONLY COPY).

The authoritative reference and input builder live on the scoring server;
editing this copy changes nothing except your own understanding.
"""

import jax, jax.numpy as jnp
import numpy as np

RESIZE_SIZE = 518
PATCH_SIZE = 14


def setup_inputs(seed: int = 0) -> dict:
    key = jax.random.key(seed)
    ks = jax.random.split(key, 8)
    B, n_cam, V = 2, 6, 20000
    grid = RESIZE_SIZE // PATCH_SIZE  # 37
    M = grid * grid  # 1369
    dim = 384
    point_feat_dim = 64
    hidden = 256
    out_dim = 16

    patch_tokens = jax.random.normal(ks[0], (B, n_cam, M, dim), dtype=jnp.float32)
    voxel_features = jax.random.normal(ks[1], (B, V, point_feat_dim), dtype=jnp.float32)
    voxel_coords = jax.random.normal(ks[2], (B, V, 3), dtype=jnp.float32) * 20.0
    image_sizes = jnp.array([[1600, 900]], dtype=jnp.int32)

    K_single = jnp.array([[1200.0, 0.0, 800.0], [0.0, 1200.0, 450.0], [0.0, 0.0, 1.0]], dtype=jnp.float32)
    K = jnp.tile(K_single[None, None], (B, n_cam, 1, 1))
    trans = jax.random.normal(ks[3], (B, n_cam, 3), dtype=jnp.float32) * 0.5
    Rt = jnp.tile(jnp.eye(4, dtype=jnp.float32)[None, None], (B, n_cam, 1, 1))
    Rt = Rt.at[:, :, :3, 3].set(trans)

    W1 = jax.random.normal(ks[4], (point_feat_dim + dim, hidden), dtype=jnp.float32) / np.sqrt(point_feat_dim + dim)
    b1 = jnp.zeros((hidden,), dtype=jnp.float32)
    W2 = jax.random.normal(ks[5], (hidden, out_dim), dtype=jnp.float32) / np.sqrt(hidden)
    b2 = jnp.zeros((out_dim,), dtype=jnp.float32)

    return {
        "patch_tokens": patch_tokens,
        "voxel_features": voxel_features,
        "voxel_coords": voxel_coords,
        "image_sizes": image_sizes,
        "K": K,
        "Rt": Rt,
        "W1": W1,
        "b1": b1,
        "W2": W2,
        "b2": b2,
    }


def reference(patch_tokens, voxel_features, voxel_coords, image_sizes, K, Rt, W1, b1, W2, b2):
    B, V, _ = voxel_coords.shape
    grid = RESIZE_SIZE // PATCH_SIZE

    # MultiCameraPointProjector (camera-0 projection producing (B, V, 2) pixel coords,
    # matching how the forward consumes a single shared pixel_coords tensor)
    pts_h = jnp.concatenate([voxel_coords, jnp.ones((B, V, 1), dtype=voxel_coords.dtype)], axis=-1)
    Rt0 = Rt[:, 0]
    K0 = K[:, 0]
    cam_pts = jnp.einsum('bij,bvj->bvi', Rt0, pts_h)[..., :3]
    pix = jnp.einsum('bij,bvj->bvi', K0, cam_pts)
    u = pix[..., 0] / (pix[..., 2] + 1e-12)
    v = pix[..., 1] / (pix[..., 2] + 1e-12)
    pixel_coords = jnp.stack([u, v], axis=-1)  # (B, V, 2)

    # scale_pixel_coords
    W_orig = image_sizes[0, 0].astype(jnp.float32)
    H_orig = image_sizes[0, 1].astype(jnp.float32)
    scale = jnp.stack([RESIZE_SIZE / W_orig, RESIZE_SIZE / H_orig]).astype(pixel_coords.dtype)
    pixel_coords = pixel_coords * scale[None, None, :]

    # .long() truncates toward zero, as does XLA float->int convert
    patch_xy = (pixel_coords / float(PATCH_SIZE)).astype(jnp.int32)
    px = jnp.clip(patch_xy[..., 0], 0, grid - 1)
    py = jnp.clip(patch_xy[..., 1], 0, grid - 1)
    flat_idx = px * grid + py  # (B, V)

    # per-view gather: tokens[b, flat_idx[b]] for each view -> (B, n_cam, V, dim)
    gathered = jnp.take_along_axis(patch_tokens, flat_idx[:, None, :, None], axis=2)
    point_patch_tokens = jnp.transpose(gathered, (0, 2, 1, 3))  # (B, V, n_cam, dim)
    fused_img_feat = point_patch_tokens.mean(axis=2)  # (B, V, dim)

    fused = jnp.concatenate([voxel_features, fused_img_feat], axis=-1)
    h = jax.nn.relu(fused @ W1 + b1)
    out = h @ W2 + b2
    return out

if __name__ == "__main__":
    import jax
    _d = setup_inputs()
    print(jax.jit(kernel)(*tuple(_d.values())))

</pallas_src>

<mosaic_0001>
#map = affine_map<(d0, d1) -> (0, 0)>
#map1 = affine_map<(d0, d1) -> (0, 0, 0)>
module attributes {stable_mosaic.version = 14 : i64} {
  func.func @_sc_gather_body(%arg0: i32, %arg1: i32, %arg2: memref<2752x128xi32, #tpu.memory_space<hbm>>, %arg3: memref<2x1x20480xi32, #tpu.memory_space<hbm>>, %arg4: memref<40960x128xi32, #tpu.memory_space<hbm>>, %arg5: memref<1280xi32, #tpu.memory_space<vmem>>, %arg6: memref<6x128x128xi32, #tpu.memory_space<vmem>>, %arg7: memref<2752x128xi32, #tpu.memory_space<vmem_shared>>, %arg8: memref<6x!tpu.dma_semaphore, #tpu.memory_space<semaphore_mem>>, %arg9: memref<6x!tpu.dma_semaphore, #tpu.memory_space<semaphore_mem>>) attributes {dimension_semantics = [#tpu.dimension_semantics<core_parallel>, #tpu.dimension_semantics<subcore_parallel>], iteration_bounds = array<i64: 2, 16>, scalar_prefetch = 0 : i64, scratch_operands = 5 : i64, tpu.core_type = #tpu.core_type<sc_vector_subcore>, window_params = [{transform_indices = #map}, {transform_indices = #map1}, {transform_indices = #map}]} {
    %mul3A = arith.constant 2 : i32
    %mul3A_0 = arith.muli %arg1, %mul3A : i32
    %add3A = arith.addi %mul3A_0, %arg0 : i32
    %jit3A = arith.constant 16 : i32
    %div3A = arith.divsi %add3A, %jit3A : i32
    %sign3A = arith.constant 0 : i32
    %sign3A_1 = arith.cmpi sgt, %add3A, %sign3A : i32
    %sign3A_2 = arith.extui %sign3A_1 : i1 to i32
    %sign3A_3 = arith.constant 0 : i32
    %sign3A_4 = arith.cmpi slt, %add3A, %sign3A_3 : i32
    %sign3A_5 = arith.extui %sign3A_4 : i1 to i32
    %sign3A_6 = arith.subi %sign3A_2, %sign3A_5 : i32
    %sign3A_7 = arith.constant 0 : i32
    %sign3A_8 = arith.cmpi sgt, %jit3A, %sign3A_7 : i32
    %sign3A_9 = arith.extui %sign3A_8 : i1 to i32
    %sign3A_10 = arith.constant 0 : i32
    %sign3A_11 = arith.cmpi slt, %jit3A, %sign3A_10 : i32
    %sign3A_12 = arith.extui %sign3A_11 : i1 to i32
    %sign3A_13 = arith.subi %sign3A_9, %sign3A_12 : i32
    %ne3A = arith.cmpi ne, %sign3A_6, %sign3A_13 : i32
    %rem3A = arith.remsi %add3A, %jit3A : i32
    %ne3A_14 = arith.constant 0 : i32
    %ne3A_15 = arith.cmpi ne, %rem3A, %ne3A_14 : i32
    %and3A = arith.andi %ne3A, %ne3A_15 : i1
    %sub3A = arith.constant 1 : i32
    %sub3A_16 = arith.subi %div3A, %sub3A : i32
    %select_n3A = arith.select %and3A, %sub3A_16, %div3A : i32
    %jit3A_17 = arith.constant 16 : i32
    %eq3A = arith.constant 0 : i32
    %eq3A_18 = arith.cmpi eq, %jit3A_17, %eq3A : i32
    %jit3A_19 = arith.constant 1 : i32
    %select_n3A_20 = arith.select %eq3A_18, %jit3A_19, %jit3A_17 : i32
    %rem3A_21 = arith.remsi %add3A, %select_n3A_20 : i32
    %ne3A_22 = arith.constant 0 : i32
    %ne3A_23 = arith.cmpi ne, %rem3A_21, %ne3A_22 : i32
    %lt3A = arith.constant 0 : i32
    %lt3A_24 = arith.cmpi slt, %rem3A_21, %lt3A : i32
    %lt3A_25 = arith.constant 0 : i32
    %lt3A_26 = arith.cmpi slt, %select_n3A_20, %lt3A_25 : i32
    %ne3A_27 = arith.xori %lt3A_24, %lt3A_26 : i1
    %and3A_28 = arith.andi %ne3A_27, %ne3A_23 : i1
    %add3A_29 = arith.addi %rem3A_21, %select_n3A_20 : i32
    %select_n3A_30 = arith.select %and3A_28, %add3A_29, %rem3A_21 : i32
    %eq3A_31 = arith.constant 0 : i32
    %eq3A_32 = arith.cmpi eq, %arg1, %eq3A_31 : i32
    %convert_element_type3A = arith.extui %eq3A_32 : i1 to i32
    %cond3A = arith.constant 0 : i32
    %cond3A_33 = arith.cmpi ne, %convert_element_type3A, %cond3A : i32
    scf.if %cond3A_33 {
      "tpu.region"() ({
        %run_scoped3A_656 = tpu.sem_alloc : memref<!tpu.dma_semaphore, #tpu.memory_space<semaphore_mem>>
        tpu.enqueue_dma source(%arg2 : memref<2752x128xi32, #tpu.memory_space<hbm>>) target(%arg7 : memref<2752x128xi32, #tpu.memory_space<vmem_shared>>) target_semaphore(%run_scoped3A_656 : memref<!tpu.dma_semaphore, #tpu.memory_space<semaphore_mem>>)
        tpu.wait_dma2 semaphore(%run_scoped3A_656 : memref<!tpu.dma_semaphore, #tpu.memory_space<semaphore_mem>>) src(%arg2 : memref<2752x128xi32, #tpu.memory_space<hbm>>) dst(%arg7 : memref<2752x128xi32, #tpu.memory_space<vmem_shared>>)
        tpu.yield
      }) : () -> ()
    } else {
    }
    %mul3A_34 = arith.constant 1280 : i32
    %mul3A_35 = arith.muli %select_n3A_30, %mul3A_34 : i32
    %multiple_of3A = tpu.assume_multiple %mul3A_35, 128 : i32
    %run_scoped3A = arith.constant 0 : i32
    "tpu.region"() ({
      %run_scoped3A_656 = tpu.sem_alloc : memref<!tpu.dma_semaphore, #tpu.memory_space<semaphore_mem>>
      %dma_start3A_657 = tpu.memref_slice %arg3[%select_n3A, %run_scoped3A, %multiple_of3A] : memref<2x1x20480xi32, #tpu.memory_space<hbm>> -> memref<1x1x1280xi32, #tpu.memory_space<hbm>>
      %dma_start3A_658 = tpu.memref_squeeze %dma_start3A_657 : memref<1x1x1280xi32, #tpu.memory_space<hbm>> -> memref<1280xi32, #tpu.memory_space<hbm>>
      %dma_start3A_659 = tpu.memref_slice %arg3[%select_n3A, %run_scoped3A, %multiple_of3A] : memref<2x1x20480xi32, #tpu.memory_space<hbm>> -> memref<1x1x1280xi32, #tpu.memory_space<hbm>>
      %dma_start3A_660 = tpu.memref_squeeze %dma_start3A_659 : memref<1x1x1280xi32, #tpu.memory_space<hbm>> -> memref<1280xi32, #tpu.memory_space<hbm>>
      tpu.enqueue_dma source(%dma_start3A_660 : memref<1280xi32, #tpu.memory_space<hbm>>) target(%arg5 : memref<1280xi32, #tpu.memory_space<vmem>>) target_semaphore(%run_scoped3A_656 : memref<!tpu.dma_semaphore, #tpu.memory_space<semaphore_mem>>)
      %dma_wait3A_661 = tpu.memref_slice %arg3[%select_n3A, %run_scoped3A, %multiple_of3A] : memref<2x1x20480xi32, #tpu.memory_space<hbm>> -> memref<1x1x1280xi32, #tpu.memory_space<hbm>>
      %dma_wait3A_662 = tpu.memref_squeeze %dma_wait3A_661 : memref<1x1x1280xi32, #tpu.memory_space<hbm>> -> memref<1280xi32, #tpu.memory_space<hbm>>
      %dma_wait3A_663 = tpu.memref_slice %arg3[%select_n3A, %run_scoped3A, %multiple_of3A] : memref<2x1x20480xi32, #tpu.memory_space<hbm>> -> memref<1x1x1280xi32, #tpu.memory_space<hbm>>
      %dma_wait3A_664 = tpu.memref_squeeze %dma_wait3A_663 : memref<1x1x1280xi32, #tpu.memory_space<hbm>> -> memref<1280xi32, #tpu.memory_space<hbm>>
      tpu.wait_dma2 semaphore(%run_scoped3A_656 : memref<!tpu.dma_semaphore, #tpu.memory_space<semaphore_mem>>) src(%dma_wait3A_664 : memref<1280xi32, #tpu.memory_space<hbm>>) dst(%arg5 : memref<1280xi32, #tpu.memory_space<vmem>>)
      tpu.yield
    }) : () -> ()
    %barrier3A = arith.constant 0 : index
    tpu.barrier barrier_id(%barrier3A)
    %mul3A_36 = arith.constant 1280 : i32
    %mul3A_37 = arith.muli %add3A, %mul3A_36 : i32
    %dma_start3A = arith.constant 0 : i32
    %dma_start3A_38 = arith.constant 0 : i32
    %dma_start3A_39 = arith.constant 0 : i32
    %dma_start3A_40 = arith.constant 0 : i32
    %dma_start3A_41 = tpu.memref_slice %arg6[%dma_start3A, %dma_start3A_39, %dma_start3A_40] : memref<6x128x128xi32, #tpu.memory_space<vmem>> -> memref<1x128x128xi32, #tpu.memory_space<vmem>>
    %dma_start3A_42 = tpu.memref_squeeze %dma_start3A_41 : memref<1x128x128xi32, #tpu.memory_space<vmem>> -> memref<128x128xi32, #tpu.memory_space<vmem>>
    %dma_start3A_43 = arith.constant 0 : i32
    %dma_start3A_44 = tpu.memref_slice %arg5[%dma_start3A_43] : memref<1280xi32, #tpu.memory_space<vmem>> -> memref<128xi32, #tpu.memory_space<vmem>>
    %dma_start3A_45 = arith.constant 0 : i32
    %dma_start3A_46 = arith.constant 0 : i32
    %dma_start3A_47 = tpu.memref_slice %arg7[%dma_start3A_45, %dma_start3A_46] : memref<2752x128xi32, #tpu.memory_space<vmem_shared>> -> memref<2752x128xi32, #tpu.memory_space<vmem_shared>>
    %dma_start3A_48 = tpu.memref_slice %arg8[%dma_start3A_38] : memref<6x!tpu.dma_semaphore, #tpu.memory_space<semaphore_mem>> -> memref<1x!tpu.dma_semaphore, #tpu.memory_space<semaphore_mem>>
    %dma_start3A_49 = tpu.memref_squeeze %dma_start3A_48 : memref<1x!tpu.dma_semaphore, #tpu.memory_space<semaphore_mem>> -> memref<!tpu.dma_semaphore, #tpu.memory_space<semaphore_mem>>
    tpu.enqueue_indirect_dma source(%dma_start3A_47 : memref<2752x128xi32, #tpu.memory_space<vmem_shared>>) target(%dma_start3A_42 : memref<128x128xi32, #tpu.memory_space<vmem>>) offsets(%dma_start3A_44 : memref<128xi32, #tpu.memory_space<vmem>>) semaphore(%dma_start3A_49 : memref<!tpu.dma_semaphore, #tpu.memory_space<semaphore_mem>>)
    %dma_start3A_50 = arith.constant 1 : i32
    %dma_start3A_51 = arith.constant 1 : i32
    %dma_start3A_52 = arith.constant 0 : i32
    %dma_start3A_53 = arith.constant 0 : i32
    %dma_start3A_54 = tpu.memref_slice %arg6[%dma_start3A_50, %dma_start3A_52, %dma_start3A_53] : memref<6x128x128xi32, #tpu.memory_space<vmem>> -> memref<1x128x128xi32, #tpu.memory_space<vmem>>
    %dma_start3A_55 = tpu.memref_squeeze %dma_start3A_54 : memref<1x128x128xi32, #tpu.memory_space<vmem>> -> memref<128x128xi32, #tpu.memory_space<vmem>>
    %dma_start3A_56 = arith.constant 128 : i32
    %dma_start3A_57 = tpu.memref_slice %arg5[%dma_start3A_56] : memref<1280xi32, #tpu.memory_space<vmem>> -> memref<128xi32, #tpu.memory_space<vmem>>
    %dma_start3A_58 = arith.constant 0 : i32
    %dma_start3A_59 = arith.constant 0 : i32
    %dma_start3A_60 = tpu.memref_slice %arg7[%dma_start3A_58, %dma_start3A_59] : memref<2752x128xi32, #tpu.memory_space<vmem_shared>> -> memref<2752x128xi32, #tpu.memory_space<vmem_shared>>
    %dma_start3A_61 = tpu.memref_slice %arg8[%dma_start3A_51] : memref<6x!tpu.dma_semaphore, #tpu.memory_space<semaphore_mem>> -> memref<1x!tpu.dma_semaphore, #tpu.memory_space<semaphore_mem>>
    %dma_start3A_62 = tpu.memref_squeeze %dma_start3A_61 : memref<1x!tpu.dma_semaphore, #tpu.memory_space<semaphore_mem>> -> memref<!tpu.dma_semaphore, #tpu.memory_space<semaphore_mem>>
    tpu.enqueue_indirect_dma source(%dma_start3A_60 : memref<2752x128xi32, #tpu.memory_space<vmem_shared>>) target(%dma_start3A_55 : memref<128x128xi32, #tpu.memory_space<vmem>>) offsets(%dma_start3A_57 : memref<128xi32, #tpu.memory_space<vmem>>) semaphore(%dma_start3A_62 : memref<!tpu.dma_semaphore, #tpu.memory_space<semaphore_mem>>)
    %dma_start3A_63 = arith.constant 2 : i32
    %dma_start3A_64 = arith.constant 2 : i32
    %dma_start3A_65 = arith.constant 0 : i32
    %dma_start3A_66 = arith.constant 0 : i32
    %dma_start3A_67 = tpu.memref_slice %arg6[%dma_start3A_63, %dma_start3A_65, %dma_start3A_66] : memref<6x128x128xi32, #tpu.memory_space<vmem>> -> memref<1x128x128xi32, #tpu.memory_space<vmem>>
    %dma_start3A_68 = tpu.memref_squeeze %dma_start3A_67 : memref<1x128x128xi32, #tpu.memory_space<vmem>> -> memref<128x128xi32, #tpu.memory_space<vmem>>
    %dma_start3A_69 = arith.constant 256 : i32
    %dma_start3A_70 = tpu.memref_slice %arg5[%dma_start3A_69] : memref<1280xi32, #tpu.memory_space<vmem>> -> memref<128xi32, #tpu.memory_space<vmem>>
    %dma_start3A_71 = arith.constant 0 : i32
    %dma_start3A_72 = arith.constant 0 : i32
    %dma_start3A_73 = tpu.memref_slice %arg7[%dma_start3A_71, %dma_start3A_72] : memref<2752x128xi32, #tpu.memory_space<vmem_shared>> -> memref<2752x128xi32, #tpu.memory_space<vmem_shared>>
    %dma_start3A_74 = tpu.memref_slice %arg8[%dma_start3A_64] : memref<6x!tpu.dma_semaphore, #tpu.memory_space<semaphore_mem>> -> memref<1x!tpu.dma_semaphore, #tpu.memory_space<semaphore_mem>>
    %dma_start3A_75 = tpu.memref_squeeze %dma_start3A_74 : memref<1x!tpu.dma_semaphore, #tpu.memory_space<semaphore_mem>> -> memref<!tpu.dma_semaphore, #tpu.memory_space<semaphore_mem>>
    tpu.enqueue_indirect_dma source(%dma_start3A_73 : memref<2752x128xi32, #tpu.memory_space<vmem_shared>>) target(%dma_start3A_68 : memref<128x128xi32, #tpu.memory_space<vmem>>) offsets(%dma_start3A_70 : memref<128xi32, #tpu.memory_space<vmem>>) semaphore(%dma_start3A_75 : memref<!tpu.dma_semaphore, #tpu.memory_space<semaphore_mem>>)
    %dma_start3A_76 = arith.constant 3 : i32
    %dma_start3A_77 = arith.constant 3 : i32
    %dma_start3A_78 = arith.constant 0 : i32
    %dma_start3A_79 = arith.constant 0 : i32
    %dma_start3A_80 = tpu.memref_slice %arg6[%dma_start3A_76, %dma_start3A_78, %dma_start3A_79] : memref<6x128x128xi32, #tpu.memory_space<vmem>> -> memref<1x128x128xi32, #tpu.memory_space<vmem>>
    %dma_start3A_81 = tpu.memref_squeeze %dma_start3A_80 : memref<1x128x128xi32, #tpu.memory_space<vmem>> -> memref<128x128xi32, #tpu.memory_space<vmem>>
    %dma_start3A_82 = arith.constant 384 : i32
    %dma_start3A_83 = tpu.memref_slice %arg5[%dma_start3A_82] : memref<1280xi32, #tpu.memory_space<vmem>> -> memref<128xi32, #tpu.memory_space<vmem>>
    %dma_start3A_84 = arith.constant 0 : i32
    %dma_start3A_85 = arith.constant 0 : i32
    %dma_start3A_86 = tpu.memref_slice %arg7[%dma_start3A_84, %dma_start3A_85] : memref<2752x128xi32, #tpu.memory_space<vmem_shared>> -> memref<2752x128xi32, #tpu.memory_space<vmem_shared>>
    %dma_start3A_87 = tpu.memref_slice %arg8[%dma_start3A_77] : memref<6x!tpu.dma_semaphore, #tpu.memory_space<semaphore_mem>> -> memref<1x!tpu.dma_semaphore, #tpu.memory_space<semaphore_mem>>
    %dma_start3A_88 = tpu.memref_squeeze %dma_start3A_87 : memref<1x!tpu.dma_semaphore, #tpu.memory_space<semaphore_mem>> -> memref<!tpu.dma_semaphore, #tpu.memory_space<semaphore_mem>>
    tpu.enqueue_indirect_dma source(%dma_start3A_86 : memref<2752x128xi32, #tpu.memory_space<vmem_shared>>) target(%dma_start3A_81 : memref<128x128xi32, #tpu.memory_space<vmem>>) offsets(%dma_start3A_83 : memref<128xi32, #tpu.memory_space<vmem>>) semaphore(%dma_start3A_88 : memref<!tpu.dma_semaphore, #tpu.memory_space<semaphore_mem>>)
    %dma_start3A_89 = arith.constant 4 : i32
    %dma_start3A_90 = arith.constant 4 : i32
    %dma_start3A_91 = arith.constant 0 : i32
    %dma_start3A_92 = arith.constant 0 : i32
    %dma_start3A_93 = tpu.memref_slice %arg6[%dma_start3A_89, %dma_start3A_91, %dma_start3A_92] : memref<6x128x128xi32, #tpu.memory_space<vmem>> -> memref<1x128x128xi32, #tpu.memory_space<vmem>>
    %dma_start3A_94 = tpu.memref_squeeze %dma_start3A_93 : memref<1x128x128xi32, #tpu.memory_space<vmem>> -> memref<128x128xi32, #tpu.memory_space<vmem>>
    %dma_start3A_95 = arith.constant 512 : i32
    %dma_start3A_96 = tpu.memref_slice %arg5[%dma_start3A_95] : memref<1280xi32, #tpu.memory_space<vmem>> -> memref<128xi32, #tpu.memory_space<vmem>>
    %dma_start3A_97 = arith.constant 0 : i32
    %dma_start3A_98 = arith.constant 0 : i32
    %dma_start3A_99 = tpu.memref_slice %arg7[%dma_start3A_97, %dma_start3A_98] : memref<2752x128xi32, #tpu.memory_space<vmem_shared>> -> memref<2752x128xi32, #tpu.memory_space<vmem_shared>>
    %dma_start3A_100 = tpu.memref_slice %arg8[%dma_start3A_90] : memref<6x!tpu.dma_semaphore, #tpu.memory_space<semaphore_mem>> -> memref<1x!tpu.dma_semaphore, #tpu.memory_space<semaphore_mem>>
    %dma_start3A_101 = tpu.memref_squeeze %dma_start3A_100 : memref<1x!tpu.dma_semaphore, #tpu.memory_space<semaphore_mem>> -> memref<!tpu.dma_semaphore, #tpu.memory_space<semaphore_mem>>
    tpu.enqueue_indirect_dma source(%dma_start3A_99 : memref<2752x128xi32, #tpu.memory_space<vmem_shared>>) target(%dma_start3A_94 : memref<128x128xi32, #tpu.memory_space<vmem>>) offsets(%dma_start3A_96 : memref<128xi32, #tpu.memory_space<vmem>>) semaphore(%dma_start3A_101 : memref<!tpu.dma_semaphore, #tpu.memory_space<semaphore_mem>>)
    %dma_start3A_102 = arith.constant 5 : i32
    %dma_start3A_103 = arith.constant 5 : i32
    %dma_start3A_104 = arith.constant 0 : i32
    %dma_start3A_105 = arith.constant 0 : i32
    %dma_start3A_106 = tpu.memref_slice %arg6[%dma_start3A_102, %dma_start3A_104, %dma_start3A_105] : memref<6x128x128xi32, #tpu.memory_space<vmem>> -> memref<1x128x128xi32, #tpu.memory_space<vmem>>
    %dma_start3A_107 = tpu.memref_squeeze %dma_start3A_106 : memref<1x128x128xi32, #tpu.memory_space<vmem>> -> memref<128x128xi32, #tpu.memory_space<vmem>>
    %dma_start3A_108 = arith.constant 640 : i32
    %dma_start3A_109 = tpu.memref_slice %arg5[%dma_start3A_108] : memref<1280xi32, #tpu.memory_space<vmem>> -> memref<128xi32, #tpu.memory_space<vmem>>
    %dma_start3A_110 = arith.constant 0 : i32
    %dma_start3A_111 = arith.constant 0 : i32
    %dma_start3A_112 = tpu.memref_slice %arg7[%dma_start3A_110, %dma_start3A_111] : memref<2752x128xi32, #tpu.memory_space<vmem_shared>> -> memref<2752x128xi32, #tpu.memory_space<vmem_shared>>
    %dma_start3A_113 = tpu.memref_slice %arg8[%dma_start3A_103] : memref<6x!tpu.dma_semaphore, #tpu.memory_space<semaphore_mem>> -> memref<1x!tpu.dma_semaphore, #tpu.memory_space<semaphore_mem>>
    %dma_start3A_114 = tpu.memref_squeeze %dma_start3A_113 : memref<1x!tpu.dma_semaphore, #tpu.memory_space<semaphore_mem>> -> memref<!tpu.dma_semaphore, #tpu.memory_space<semaphore_mem>>
    tpu.enqueue_indirect_dma source(%dma_start3A_112 : memref<2752x128xi32, #tpu.memory_space<vmem_shared>>) target(%dma_start3A_107 : memref<128x128xi32, #tpu.memory_space<vmem>>) offsets(%dma_start3A_109 : memref<128xi32, #tpu.memory_space<vmem>>) semaphore(%dma_start3A_114 : memref<!tpu.dma_semaphore, #tpu.memory_space<semaphore_mem>>)
    %dma_wait3A = arith.constant 0 : i32
    %dma_wait3A_115 = arith.constant 0 : i32
    %dma_wait3A_116 = arith.constant 0 : i32
    %dma_wait3A_117 = arith.constant 0 : i32
    %dma_wait3A_118 = tpu.memref_slice %arg6[%dma_wait3A, %dma_wait3A_116, %dma_wait3A_117] : memref<6x128x128xi32, #tpu.memory_space<vmem>> -> memref<1x128x128xi32, #tpu.memory_space<vmem>>
    %dma_wait3A_119 = tpu.memref_squeeze %dma_wait3A_118 : memref<1x128x128xi32, #tpu.memory_space<vmem>> -> memref<128x128xi32, #tpu.memory_space<vmem>>
    %dma_wait3A_120 = arith.constant 0 : i32
    %dma_wait3A_121 = tpu.memref_slice %arg5[%dma_wait3A_120] : memref<1280xi32, #tpu.memory_space<vmem>> -> memref<128xi32, #tpu.memory_space<vmem>>
    %dma_wait3A_122 = arith.constant 0 : i32
    %dma_wait3A_123 = arith.constant 0 : i32
    %dma_wait3A_124 = tpu.memref_slice %arg7[%dma_wait3A_122, %dma_wait3A_123] : memref<2752x128xi32, #tpu.memory_space<vmem_shared>> -> memref<2752x128xi32, #tpu.memory_space<vmem_shared>>
    %dma_wait3A_125 = tpu.memref_slice %arg8[%dma_wait3A_115] : memref<6x!tpu.dma_semaphore, #tpu.memory_space<semaphore_mem>> -> memref<1x!tpu.dma_semaphore, #tpu.memory_space<semaphore_mem>>
    %dma_wait3A_126 = tpu.memref_squeeze %dma_wait3A_125 : memref<1x!tpu.dma_semaphore, #tpu.memory_space<semaphore_mem>> -> memref<!tpu.dma_semaphore, #tpu.memory_space<semaphore_mem>>
    tpu.wait_indirect_dma semaphore(%dma_wait3A_126 : memref<!tpu.dma_semaphore, #tpu.memory_space<semaphore_mem>>) src(%dma_wait3A_124 : memref<2752x128xi32, #tpu.memory_space<vmem_shared>>) dst(%dma_wait3A_119 : memref<128x128xi32, #tpu.memory_space<vmem>>)
    %add3A_127 = arith.constant 0 : i32
    %add3A_128 = arith.addi %mul3A_37, %add3A_127 : i32
    %dma_start3A_129 = arith.constant 0 : i32
    %dma_start3A_130 = arith.constant 0 : i32
    %dma_start3A_131 = arith.constant 0 : i32
    %dma_start3A_132 = arith.constant 0 : i32
    %dma_start3A_133 = tpu.memref_slice %arg6[%dma_start3A_129, %dma_start3A_131, %dma_start3A_132] : memref<6x128x128xi32, #tpu.memory_space<vmem>> -> memref<1x128x128xi32, #tpu.memory_space<vmem>>
    %dma_start3A_134 = tpu.memref_squeeze %dma_start3A_133 : memref<1x128x128xi32, #tpu.memory_space<vmem>> -> memref<128x128xi32, #tpu.memory_space<vmem>>
    %dma_start3A_135 = arith.constant 0 : i32
    %dma_start3A_136 = tpu.memref_slice %arg4[%add3A_128, %dma_start3A_135] : memref<40960x128xi32, #tpu.memory_space<hbm>> -> memref<128x128xi32, #tpu.memory_space<hbm>>
    %dma_start3A_137 = tpu.memref_slice %arg9[%dma_start3A_130] : memref<6x!tpu.dma_semaphore, #tpu.memory_space<semaphore_mem>> -> memref<1x!tpu.dma_semaphore, #tpu.memory_space<semaphore_mem>>
    %dma_start3A_138 = tpu.memref_squeeze %dma_start3A_137 : memref<1x!tpu.dma_semaphore, #tpu.memory_space<semaphore_mem>> -> memref<!tpu.dma_semaphore, #tpu.memory_space<semaphore_mem>>
    %dma_start3A_139 = arith.constant 0 : i32
    %dma_start3A_140 = tpu.memref_slice %arg4[%add3A_128, %dma_start3A_139] : memref<40960x128xi32, #tpu.memory_space<hbm>> -> memref<128x128xi32, #tpu.memory_space<hbm>>
    %dma_start3A_141 = arith.constant 0 : i32
    %dma_start3A_142 = arith.constant 0 : i32
    %dma_start3A_143 = tpu.memref_slice %arg6[%dma_start3A_129, %dma_start3A_141, %dma_start3A_142] : memref<6x128x128xi32, #tpu.memory_space<vmem>> -> memref<1x128x128xi32, #tpu.memory_space<vmem>>
    %dma_start3A_144 = tpu.memref_squeeze %dma_start3A_143 : memref<1x128x128xi32, #tpu.memory_space<vmem>> -> memref<128x128xi32, #tpu.memory_space<vmem>>
    tpu.enqueue_dma source(%dma_start3A_144 : memref<128x128xi32, #tpu.memory_space<vmem>>) target(%dma_start3A_140 : memref<128x128xi32, #tpu.memory_space<hbm>>) target_semaphore(%dma_start3A_138 : memref<!tpu.dma_semaphore, #tpu.memory_space<semaphore_mem>>)
    %add3A_145 = arith.constant 0 : i32
    %add3A_146 = arith.addi %mul3A_37, %add3A_145 : i32
    %dma_wait3A_147 = arith.constant 0 : i32
    %dma_wait3A_148 = arith.constant 0 : i32
    %dma_wait3A_149 = arith.constant 0 : i32
    %dma_wait3A_150 = arith.constant 0 : i32
    %dma_wait3A_151 = tpu.memref_slice %arg6[%dma_wait3A_147, %dma_wait3A_149, %dma_wait3A_150] : memref<6x128x128xi32, #tpu.memory_space<vmem>> -> memref<1x128x128xi32, #tpu.memory_space<vmem>>
    %dma_wait3A_152 = tpu.memref_squeeze %dma_wait3A_151 : memref<1x128x128xi32, #tpu.memory_space<vmem>> -> memref<128x128xi32, #tpu.memory_space<vmem>>
    %dma_wait3A_153 = arith.constant 0 : i32
    %dma_wait3A_154 = tpu.memref_slice %arg4[%add3A_146, %dma_wait3A_153] : memref<40960x128xi32, #tpu.memory_space<hbm>> -> memref<128x128xi32, #tpu.memory_space<hbm>>
    %dma_wait3A_155 = tpu.memref_slice %arg9[%dma_wait3A_148] : memref<6x!tpu.dma_semaphore, #tpu.memory_space<semaphore_mem>> -> memref<1x!tpu.dma_semaphore, #tpu.memory_space<semaphore_mem>>
    %dma_wait3A_156 = tpu.memref_squeeze %dma_wait3A_155 : memref<1x!tpu.dma_semaphore, #tpu.memory_space<semaphore_mem>> -> memref<!tpu.dma_semaphore, #tpu.memory_space<semaphore_mem>>
    %dma_wait3A_157 = arith.constant 0 : i32
    %dma_wait3A_158 = tpu.memref_slice %arg4[%add3A_146, %dma_wait3A_157] : memref<40960x128xi32, #tpu.memory_space<hbm>> -> memref<128x128xi32, #tpu.memory_space<hbm>>
    %dma_wait3A_159 = arith.constant 0 : i32
    %dma_wait3A_160 = arith.constant 0 : i32
    %dma_wait3A_161 = tpu.memref_slice %arg6[%dma_wait3A_147, %dma_wait3A_159, %dma_wait3A_160] : memref<6x128x128xi32, #tpu.memory_space<vmem>> -> memref<1x128x128xi32, #tpu.memory_space<vmem>>
    %dma_wait3A_162 = tpu.memref_squeeze %dma_wait3A_161 : memref<1x128x128xi32, #tpu.memory_space<vmem>> -> memref<128x128xi32, #tpu.memory_space<vmem>>
    tpu.wait_dma2 semaphore(%dma_wait3A_156 : memref<!tpu.dma_semaphore, #tpu.memory_space<semaphore_mem>>) src(%dma_wait3A_162 : memref<128x128xi32, #tpu.memory_space<vmem>>) dst(%dma_wait3A_158 : memref<128x128xi32, #tpu.memory_space<hbm>>)
    %dma_start3A_163 = arith.constant 0 : i32
    %dma_start3A_164 = arith.constant 0 : i32
    %dma_start3A_165 = arith.constant 0 : i32
    %dma_start3A_166 = arith.constant 0 : i32
    %dma_start3A_167 = tpu.memref_slice %arg6[%dma_start3A_163, %dma_start3A_165, %dma_start3A_166] : memref<6x128x128xi32, #tpu.memory_space<vmem>> -> memref<1x128x128xi32, #tpu.memory_space<vmem>>
    %dma_start3A_168 = tpu.memref_squeeze %dma_start3A_167 : memref<1x128x128xi32, #tpu.memory_space<vmem>> -> memref<128x128xi32, #tpu.memory_space<vmem>>
    %dma_start3A_169 = arith.constant 768 : i32
    %dma_start3A_170 = tpu.memref_slice %arg5[%dma_start3A_169] : memref<1280xi32, #tpu.memory_space<vmem>> -> memref<128xi32, #tpu.memory_space<vmem>>
    %dma_start3A_171 = arith.constant 0 : i32
    %dma_start3A_172 = arith.constant 0 : i32
    %dma_start3A_173 = tpu.memref_slice %arg7[%dma_start3A_171, %dma_start3A_172] : memref<2752x128xi32, #tpu.memory_space<vmem_shared>> -> memref<2752x128xi32, #tpu.memory_space<vmem_shared>>
    %dma_start3A_174 = tpu.memref_slice %arg8[%dma_start3A_164] : memref<6x!tpu.dma_semaphore, #tpu.memory_space<semaphore_mem>> -> memref<1x!tpu.dma_semaphore, #tpu.memory_space<semaphore_mem>>
    %dma_start3A_175 = tpu.memref_squeeze %dma_start3A_174 : memref<1x!tpu.dma_semaphore, #tpu.memory_space<semaphore_mem>> -> memref<!tpu.dma_semaphore, #tpu.memory_space<semaphore_mem>>
    tpu.enqueue_indirect_dma source(%dma_start3A_173 : memref<2752x128xi32, #tpu.memory_space<vmem_shared>>) target(%dma_start3A_168 : memref<128x128xi32, #tpu.memory_space<vmem>>) offsets(%dma_start3A_170 : memref<128xi32, #tpu.memory_space<vmem>>) semaphore(%dma_start3A_175 : memref<!tpu.dma_semaphore, #tpu.memory_space<semaphore_mem>>)
    %dma_wait3A_176 = arith.constant 1 : i32
    %dma_wait3A_177 = arith.constant 1 : i32
    %dma_wait3A_178 = arith.constant 0 : i32
    %dma_wait3A_179 = arith.constant 0 : i32
    %dma_wait3A_180 = tpu.memref_slice %arg6[%dma_wait3A_176, %dma_wait3A_178, %dma_wait3A_179] : memref<6x128x128xi32, #tpu.memory_space<vmem>> -> memref<1x128x128xi32, #tpu.memory_space<vmem>>
    %dma_wait3A_181 = tpu.memref_squeeze %dma_wait3A_180 : memref<1x128x128xi32, #tpu.memory_space<vmem>> -> memref<128x128xi32, #tpu.memory_space<vmem>>
    %dma_wait3A_182 = arith.constant 128 : i32
    %dma_wait3A_183 = tpu.memref_slice %arg5[%dma_wait3A_182] : memref<1280xi32, #tpu.memory_space<vmem>> -> memref<128xi32, #tpu.memory_space<vmem>>
    %dma_wait3A_184 = arith.constant 0 : i32
    %dma_wait3A_185 = arith.constant 0 : i32
    %dma_wait3A_186 = tpu.memref_slice %arg7[%dma_wait3A_184, %dma_wait3A_185] : memref<2752x128xi32, #tpu.memory_space<vmem_shared>> -> memref<2752x128xi32, #tpu.memory_space<vmem_shared>>
    %dma_wait3A_187 = tpu.memref_slice %arg8[%dma_wait3A_177] : memref<6x!tpu.dma_semaphore, #tpu.memory_space<semaphore_mem>> -> memref<1x!tpu.dma_semaphore, #tpu.memory_space<semaphore_mem>>
    %dma_wait3A_188 = tpu.memref_squeeze %dma_wait3A_187 : memref<1x!tpu.dma_semaphore, #tpu.memory_space<semaphore_mem>> -> memref<!tpu.dma_semaphore, #tpu.memory_space<semaphore_mem>>
    tpu.wait_indirect_dma semaphore(%dma_wait3A_188 : memref<!tpu.dma_semaphore, #tpu.memory_space<semaphore_mem>>) src(%dma_wait3A_186 : memref<2752x128xi32, #tpu.memory_space<vmem_shared>>) dst(%dma_wait3A_181 : memref<128x128xi32, #tpu.memory_space<vmem>>)
    %add3A_189 = arith.constant 128 : i32
    %add3A_190 = arith.addi %mul3A_37, %add3A_189 : i32
    %dma_start3A_191 = arith.constant 1 : i32
    %dma_start3A_192 = arith.constant 1 : i32
    %dma_start3A_193 = arith.constant 0 : i32
    %dma_start3A_194 = arith.constant 0 : i32
    %dma_start3A_195 = tpu.memref_slice %arg6[%dma_start3A_191, %dma_start3A_193, %dma_start3A_194] : memref<6x128x128xi32, #tpu.memory_space<vmem>> -> memref<1x128x128xi32, #tpu.memory_space<vmem>>
    %dma_start3A_196 = tpu.memref_squeeze %dma_start3A_195 : memref<1x128x128xi32, #tpu.memory_space<vmem>> -> memref<128x128xi32, #tpu.memory_space<vmem>>
    %dma_start3A_197 = arith.constant 0 : i32
    %dma_start3A_198 = tpu.memref_slice %arg4[%add3A_190, %dma_start3A_197] : memref<40960x128xi32, #tpu.memory_space<hbm>> -> memref<128x128xi32, #tpu.memory_space<hbm>>
    %dma_start3A_199 = tpu.memref_slice %arg9[%dma_start3A_192] : memref<6x!tpu.dma_semaphore, #tpu.memory_space<semaphore_mem>> -> memref<1x!tpu.dma_semaphore, #tpu.memory_space<semaphore_mem>>
    %dma_start3A_200 = tpu.memref_squeeze %dma_start3A_199 : memref<1x!tpu.dma_semaphore, #tpu.memory_space<semaphore_mem>> -> memref<!tpu.dma_semaphore, #tpu.memory_space<semaphore_mem>>
    %dma_start3A_201 = arith.constant 0 : i32
    %dma_start3A_202 = tpu.memref_slice %arg4[%add3A_190, %dma_start3A_201] : memref<40960x128xi32, #tpu.memory_space<hbm>> -> memref<128x128xi32, #tpu.memory_space<hbm>>
    %dma_start3A_203 = arith.constant 0 : i32
    %dma_start3A_204 = arith.constant 0 : i32
    %dma_start3A_205 = tpu.memref_slice %arg6[%dma_start3A_191, %dma_start3A_203, %dma_start3A_204] : memref<6x128x128xi32, #tpu.memory_space<vmem>> -> memref<1x128x128xi32, #tpu.memory_space<vmem>>
    %dma_start3A_206 = tpu.memref_squeeze %dma_start3A_205 : memref<1x128x128xi32, #tpu.memory_space<vmem>> -> memref<128x128xi32, #tpu.memory_space<vmem>>
    tpu.enqueue_dma source(%dma_start3A_206 : memref<128x128xi32, #tpu.memory_space<vmem>>) target(%dma_start3A_202 : memref<128x128xi32, #tpu.memory_space<hbm>>) target_semaphore(%dma_start3A_200 : memref<!tpu.dma_semaphore, #tpu.memory_space<semaphore_mem>>)
    %add3A_207 = arith.constant 128 : i32
    %add3A_208 = arith.addi %mul3A_37, %add3A_207 : i32
    %dma_wait3A_209 = arith.constant 1 : i32
    %dma_wait3A_210 = arith.constant 1 : i32
    %dma_wait3A_211 = arith.constant 0 : i32
    %dma_wait3A_212 = arith.constant 0 : i32
    %dma_wait3A_213 = tpu.memref_slice %arg6[%dma_wait3A_209, %dma_wait3A_211, %dma_wait3A_212] : memref<6x128x128xi32, #tpu.memory_space<vmem>> -> memref<1x128x128xi32, #tpu.memory_space<vmem>>
    %dma_wait3A_214 = tpu.memref_squeeze %dma_wait3A_213 : memref<1x128x128xi32, #tpu.memory_space<vmem>> -> memref<128x128xi32, #tpu.memory_space<vmem>>
    %dma_wait3A_215 = arith.constant 0 : i32
    %dma_wait3A_216 = tpu.memref_slice %arg4[%add3A_208, %dma_wait3A_215] : memref<40960x128xi32, #tpu.memory_space<hbm>> -> memref<128x128xi32, #tpu.memory_space<hbm>>
    %dma_wait3A_217 = tpu.memref_slice %arg9[%dma_wait3A_210] : memref<6x!tpu.dma_semaphore, #tpu.memory_space<semaphore_mem>> -> memref<1x!tpu.dma_semaphore, #tpu.memory_space<semaphore_mem>>
    %dma_wait3A_218 = tpu.memref_squeeze %dma_wait3A_217 : memref<1x!tpu.dma_semaphore, #tpu.memory_space<semaphore_mem>> -> memref<!tpu.dma_semaphore, #tpu.memory_space<semaphore_mem>>
    %dma_wait3A_219 = arith.constant 0 : i32
    %dma_wait3A_220 = tpu.memref_slice %arg4[%add3A_208, %dma_wait3A_219] : memref<40960x128xi32, #tpu.memory_space<hbm>> -> memref<128x128xi32, #tpu.memory_space<hbm>>
    %dma_wait3A_221 = arith.constant 0 : i32
    %dma_wait3A_222 = arith.constant 0 : i32
    %dma_wait3A_223 = tpu.memref_slice %arg6[%dma_wait3A_209, %dma_wait3A_221, %dma_wait3A_222] : memref<6x128x128xi32, #tpu.memory_space<vmem>> -> memref<1x128x128xi32, #tpu.memory_space<vmem>>
    %dma_wait3A_224 = tpu.memref_squeeze %dma_wait3A_223 : memref<1x128x128xi32, #tpu.memory_space<vmem>> -> memref<128x128xi32, #tpu.memory_space<vmem>>
    tpu.wait_dma2 semaphore(%dma_wait3A_218 : memref<!tpu.dma_semaphore, #tpu.memory_space<semaphore_mem>>) src(%dma_wait3A_224 : memref<128x128xi32, #tpu.memory_space<vmem>>) dst(%dma_wait3A_220 : memref<128x128xi32, #tpu.memory_space<hbm>>)
    %dma_start3A_225 = arith.constant 1 : i32
    %dma_start3A_226 = arith.constant 1 : i32
    %dma_start3A_227 = arith.constant 0 : i32
    %dma_start3A_228 = arith.constant 0 : i32
    %dma_start3A_229 = tpu.memref_slice %arg6[%dma_start3A_225, %dma_start3A_227, %dma_start3A_228] : memref<6x128x128xi32, #tpu.memory_space<vmem>> -> memref<1x128x128xi32, #tpu.memory_space<vmem>>
    %dma_start3A_230 = tpu.memref_squeeze %dma_start3A_229 : memref<1x128x128xi32, #tpu.memory_space<vmem>> -> memref<128x128xi32, #tpu.memory_space<vmem>>
    %dma_start3A_231 = arith.constant 896 : i32
    %dma_start3A_232 = tpu.memref_slice %arg5[%dma_start3A_231] : memref<1280xi32, #tpu.memory_space<vmem>> -> memref<128xi32, #tpu.memory_space<vmem>>
    %dma_start3A_233 = arith.constant 0 : i32
    %dma_start3A_234 = arith.constant 0 : i32
    %dma_start3A_235 = tpu.memref_slice %arg7[%dma_start3A_233, %dma_start3A_234] : memref<2752x128xi32, #tpu.memory_space<vmem_shared>> -> memref<2752x128xi32, #tpu.memory_space<vmem_shared>>
    %dma_start3A_236 = tpu.memref_slice %arg8[%dma_start3A_226] : memref<6x!tpu.dma_semaphore, #tpu.memory_space<semaphore_mem>> -> memref<1x!tpu.dma_semaphore, #tpu.memory_space<semaphore_mem>>
    %dma_start3A_237 = tpu.memref_squeeze %dma_start3A_236 : memref<1x!tpu.dma_semaphore, #tpu.memory_space<semaphore_mem>> -> memref<!tpu.dma_semaphore, #tpu.memory_space<semaphore_mem>>
    tpu.enqueue_indirect_dma source(%dma_start3A_235 : memref<2752x128xi32, #tpu.memory_space<vmem_shared>>) target(%dma_start3A_230 : memref<128x128xi32, #tpu.memory_space<vmem>>) offsets(%dma_start3A_232 : memref<128xi32, #tpu.memory_space<vmem>>) semaphore(%dma_start3A_237 : memref<!tpu.dma_semaphore, #tpu.memory_space<semaphore_mem>>)
    %dma_wait3A_238 = arith.constant 2 : i32
    %dma_wait3A_239 = arith.constant 2 : i32
    %dma_wait3A_240 = arith.constant 0 : i32
    %dma_wait3A_241 = arith.constant 0 : i32
    %dma_wait3A_242 = tpu.memref_slice %arg6[%dma_wait3A_238, %dma_wait3A_240, %dma_wait3A_241] : memref<6x128x128xi32, #tpu.memory_space<vmem>> -> memref<1x128x128xi32, #tpu.memory_space<vmem>>
    %dma_wait3A_243 = tpu.memref_squeeze %dma_wait3A_242 : memref<1x128x128xi32, #tpu.memory_space<vmem>> -> memref<128x128xi32, #tpu.memory_space<vmem>>
    %dma_wait3A_244 = arith.constant 256 : i32
    %dma_wait3A_245 = tpu.memref_slice %arg5[%dma_wait3A_244] : memref<1280xi32, #tpu.memory_space<vmem>> -> memref<128xi32, #tpu.memory_space<vmem>>
    %dma_wait3A_246 = arith.constant 0 : i32
    %dma_wait3A_247 = arith.constant 0 : i32
    %dma_wait3A_248 = tpu.memref_slice %arg7[%dma_wait3A_246, %dma_wait3A_247] : memref<2752x128xi32, #tpu.memory_space<vmem_shared>> -> memref<2752x128xi32, #tpu.memory_space<vmem_shared>>
    %dma_wait3A_249 = tpu.memref_slice %arg8[%dma_wait3A_239] : memref<6x!tpu.dma_semaphore, #tpu.memory_space<semaphore_mem>> -> memref<1x!tpu.dma_semaphore, #tpu.memory_space<semaphore_mem>>
    %dma_wait3A_250 = tpu.memref_squeeze %dma_wait3A_249 : memref<1x!tpu.dma_semaphore, #tpu.memory_space<semaphore_mem>> -> memref<!tpu.dma_semaphore, #tpu.memory_space<semaphore_mem>>
    tpu.wait_indirect_dma semaphore(%dma_wait3A_250 : memref<!tpu.dma_semaphore, #tpu.memory_space<semaphore_mem>>) src(%dma_wait3A_248 : memref<2752x128xi32, #tpu.memory_space<vmem_shared>>) dst(%dma_wait3A_243 : memref<128x128xi32, #tpu.memory_space<vmem>>)
    %add3A_251 = arith.constant 256 : i32
    %add3A_252 = arith.addi %mul3A_37, %add3A_251 : i32
    %dma_start3A_253 = arith.constant 2 : i32
    %dma_start3A_254 = arith.constant 2 : i32
    %dma_start3A_255 = arith.constant 0 : i32
    %dma_start3A_256 = arith.constant 0 : i32
    %dma_start3A_257 = tpu.memref_slice %arg6[%dma_start3A_253, %dma_start3A_255, %dma_start3A_256] : memref<6x128x128xi32, #tpu.memory_space<vmem>> -> memref<1x128x128xi32, #tpu.memory_space<vmem>>
    %dma_start3A_258 = tpu.memref_squeeze %dma_start3A_257 : memref<1x128x128xi32, #tpu.memory_space<vmem>> -> memref<128x128xi32, #tpu.memory_space<vmem>>
    %dma_start3A_259 = arith.constant 0 : i32
    %dma_start3A_260 = tpu.memref_slice %arg4[%add3A_252, %dma_start3A_259] : memref<40960x128xi32, #tpu.memory_space<hbm>> -> memref<128x128xi32, #tpu.memory_space<hbm>>
    %dma_start3A_261 = tpu.memref_slice %arg9[%dma_start3A_254] : memref<6x!tpu.dma_semaphore, #tpu.memory_space<semaphore_mem>> -> memref<1x!tpu.dma_semaphore, #tpu.memory_space<semaphore_mem>>
    %dma_start3A_262 = tpu.memref_squeeze %dma_start3A_261 : memref<1x!tpu.dma_semaphore, #tpu.memory_space<semaphore_mem>> -> memref<!tpu.dma_semaphore, #tpu.memory_space<semaphore_mem>>
    %dma_start3A_263 = arith.constant 0 : i32
    %dma_start3A_264 = tpu.memref_slice %arg4[%add3A_252, %dma_start3A_263] : memref<40960x128xi32, #tpu.memory_space<hbm>> -> memref<128x128xi32, #tpu.memory_space<hbm>>
    %dma_start3A_265 = arith.constant 0 : i32
    %dma_start3A_266 = arith.constant 0 : i32
    %dma_start3A_267 = tpu.memref_slice %arg6[%dma_start3A_253, %dma_start3A_265, %dma_start3A_266] : memref<6x128x128xi32, #tpu.memory_space<vmem>> -> memref<1x128x128xi32, #tpu.memory_space<vmem>>
    %dma_start3A_268 = tpu.memref_squeeze %dma_start3A_267 : memref<1x128x128xi32, #tpu.memory_space<vmem>> -> memref<128x128xi32, #tpu.memory_space<vmem>>
    tpu.enqueue_dma source(%dma_start3A_268 : memref<128x128xi32, #tpu.memory_space<vmem>>) target(%dma_start3A_264 : memref<128x128xi32, #tpu.memory_space<hbm>>) target_semaphore(%dma_start3A_262 : memref<!tpu.dma_semaphore, #tpu.memory_space<semaphore_mem>>)
    %add3A_269 = arith.constant 256 : i32
    %add3A_270 = arith.addi %mul3A_37, %add3A_269 : i32
    %dma_wait3A_271 = arith.constant 2 : i32
    %dma_wait3A_272 = arith.constant 2 : i32
    %dma_wait3A_273 = arith.constant 0 : i32
    %dma_wait3A_274 = arith.constant 0 : i32
    %dma_wait3A_275 = tpu.memref_slice %arg6[%dma_wait3A_271, %dma_wait3A_273, %dma_wait3A_274] : memref<6x128x128xi32, #tpu.memory_space<vmem>> -> memref<1x128x128xi32, #tpu.memory_space<vmem>>
    %dma_wait3A_276 = tpu.memref_squeeze %dma_wait3A_275 : memref<1x128x128xi32, #tpu.memory_space<vmem>> -> memref<128x128xi32, #tpu.memory_space<vmem>>
    %dma_wait3A_277 = arith.constant 0 : i32
    %dma_wait3A_278 = tpu.memref_slice %arg4[%add3A_270, %dma_wait3A_277] : memref<40960x128xi32, #tpu.memory_space<hbm>> -> memref<128x128xi32, #tpu.memory_space<hbm>>
    %dma_wait3A_279 = tpu.memref_slice %arg9[%dma_wait3A_272] : memref<6x!tpu.dma_semaphore, #tpu.memory_space<semaphore_mem>> -> memref<1x!tpu.dma_semaphore, #tpu.memory_space<semaphore_mem>>
    %dma_wait3A_280 = tpu.memref_squeeze %dma_wait3A_279 : memref<1x!tpu.dma_semaphore, #tpu.memory_space<semaphore_mem>> -> memref<!tpu.dma_semaphore, #tpu.memory_space<semaphore_mem>>
    %dma_wait3A_281 = arith.constant 0 : i32
    %dma_wait3A_282 = tpu.memref_slice %arg4[%add3A_270, %dma_wait3A_281] : memref<40960x128xi32, #tpu.memory_space<hbm>> -> memref<128x128xi32, #tpu.memory_space<hbm>>
    %dma_wait3A_283 = arith.constant 0 : i32
    %dma_wait3A_284 = arith.constant 0 : i32
    %dma_wait3A_285 = tpu.memref_slice %arg6[%dma_wait3A_271, %dma_wait3A_283, %dma_wait3A_284] : memref<6x128x128xi32, #tpu.memory_space<vmem>> -> memref<1x128x128xi32, #tpu.memory_space<vmem>>
    %dma_wait3A_286 = tpu.memref_squeeze %dma_wait3A_285 : memref<1x128x128xi32, #tpu.memory_space<vmem>> -> memref<128x128xi32, #tpu.memory_space<vmem>>
    tpu.wait_dma2 semaphore(%dma_wait3A_280 : memref<!tpu.dma_semaphore, #tpu.memory_space<semaphore_mem>>) src(%dma_wait3A_286 : memref<128x128xi32, #tpu.memory_space<vmem>>) dst(%dma_wait3A_282 : memref<128x128xi32, #tpu.memory_space<hbm>>)
    %dma_start3A_287 = arith.constant 2 : i32
    %dma_start3A_288 = arith.constant 2 : i32
    %dma_start3A_289 = arith.constant 0 : i32
    %dma_start3A_290 = arith.constant 0 : i32
    %dma_start3A_291 = tpu.memref_slice %arg6[%dma_start3A_287, %dma_start3A_289, %dma_start3A_290] : memref<6x128x128xi32, #tpu.memory_space<vmem>> -> memref<1x128x128xi32, #tpu.memory_space<vmem>>
    %dma_start3A_292 = tpu.memref_squeeze %dma_start3A_291 : memref<1x128x128xi32, #tpu.memory_space<vmem>> -> memref<128x128xi32, #tpu.memory_space<vmem>>
    %dma_start3A_293 = arith.constant 1024 : i32
    %dma_start3A_294 = tpu.memref_slice %arg5[%dma_start3A_293] : memref<1280xi32, #tpu.memory_space<vmem>> -> memref<128xi32, #tpu.memory_space<vmem>>
    %dma_start3A_295 = arith.constant 0 : i32
    %dma_start3A_296 = arith.constant 0 : i32
    %dma_start3A_297 = tpu.memref_slice %arg7[%dma_start3A_295, %dma_start3A_296] : memref<2752x128xi32, #tpu.memory_space<vmem_shared>> -> memref<2752x128xi32, #tpu.memory_space<vmem_shared>>
    %dma_start3A_298 = tpu.memref_slice %arg8[%dma_start3A_288] : memref<6x!tpu.dma_semaphore, #tpu.memory_space<semaphore_mem>> -> memref<1x!tpu.dma_semaphore, #tpu.memory_space<semaphore_mem>>
    %dma_start3A_299 = tpu.memref_squeeze %dma_start3A_298 : memref<1x!tpu.dma_semaphore, #tpu.memory_space<semaphore_mem>> -> memref<!tpu.dma_semaphore, #tpu.memory_space<semaphore_mem>>
    tpu.enqueue_indirect_dma source(%dma_start3A_297 : memref<2752x128xi32, #tpu.memory_space<vmem_shared>>) target(%dma_start3A_292 : memref<128x128xi32, #tpu.memory_space<vmem>>) offsets(%dma_start3A_294 : memref<128xi32, #tpu.memory_space<vmem>>) semaphore(%dma_start3A_299 : memref<!tpu.dma_semaphore, #tpu.memory_space<semaphore_mem>>)
    %dma_wait3A_300 = arith.constant 3 : i32
    %dma_wait3A_301 = arith.constant 3 : i32
    %dma_wait3A_302 = arith.constant 0 : i32
    %dma_wait3A_303 = arith.constant 0 : i32
    %dma_wait3A_304 = tpu.memref_slice %arg6[%dma_wait3A_300, %dma_wait3A_302, %dma_wait3A_303] : memref<6x128x128xi32, #tpu.memory_space<vmem>> -> memref<1x128x128xi32, #tpu.memory_space<vmem>>
    %dma_wait3A_305 = tpu.memref_squeeze %dma_wait3A_304 : memref<1x128x128xi32, #tpu.memory_space<vmem>> -> memref<128x128xi32, #tpu.memory_space<vmem>>
    %dma_wait3A_306 = arith.constant 384 : i32
    %dma_wait3A_307 = tpu.memref_slice %arg5[%dma_wait3A_306] : memref<1280xi32, #tpu.memory_space<vmem>> -> memref<128xi32, #tpu.memory_space<vmem>>
    %dma_wait3A_308 = arith.constant 0 : i32
    %dma_wait3A_309 = arith.constant 0 : i32
    %dma_wait3A_310 = tpu.memref_slice %arg7[%dma_wait3A_308, %dma_wait3A_309] : memref<2752x128xi32, #tpu.memory_space<vmem_shared>> -> memref<2752x128xi32, #tpu.memory_space<vmem_shared>>
    %dma_wait3A_311 = tpu.memref_slice %arg8[%dma_wait3A_301] : memref<6x!tpu.dma_semaphore, #tpu.memory_space<semaphore_mem>> -> memref<1x!tpu.dma_semaphore, #tpu.memory_space<semaphore_mem>>
    %dma_wait3A_312 = tpu.memref_squeeze %dma_wait3A_311 : memref<1x!tpu.dma_semaphore, #tpu.memory_space<semaphore_mem>> -> memref<!tpu.dma_semaphore, #tpu.memory_space<semaphore_mem>>
    tpu.wait_indirect_dma semaphore(%dma_wait3A_312 : memref<!tpu.dma_semaphore, #tpu.memory_space<semaphore_mem>>) src(%dma_wait3A_310 : memref<2752x128xi32, #tpu.memory_space<vmem_shared>>) dst(%dma_wait3A_305 : memref<128x128xi32, #tpu.memory_space<vmem>>)
    %add3A_313 = arith.constant 384 : i32
    %add3A_314 = arith.addi %mul3A_37, %add3A_313 : i32
    %dma_start3A_315 = arith.constant 3 : i32
    %dma_start3A_316 = arith.constant 3 : i32
    %dma_start3A_317 = arith.constant 0 : i32
    %dma_start3A_318 = arith.constant 0 : i32
    %dma_start3A_319 = tpu.memref_slice %arg6[%dma_start3A_315, %dma_start3A_317, %dma_start3A_318] : memref<6x128x128xi32, #tpu.memory_space<vmem>> -> memref<1x128x128xi32, #tpu.memory_space<vmem>>
    %dma_start3A_320 = tpu.memref_squeeze %dma_start3A_319 : memref<1x128x128xi32, #tpu.memory_space<vmem>> -> memref<128x128xi32, #tpu.memory_space<vmem>>
    %dma_start3A_321 = arith.constant 0 : i32
    %dma_start3A_322 = tpu.memref_slice %arg4[%add3A_314, %dma_start3A_321] : memref<40960x128xi32, #tpu.memory_space<hbm>> -> memref<128x128xi32, #tpu.memory_space<hbm>>
    %dma_start3A_323 = tpu.memref_slice %arg9[%dma_start3A_316] : memref<6x!tpu.dma_semaphore, #tpu.memory_space<semaphore_mem>> -> memref<1x!tpu.dma_semaphore, #tpu.memory_space<semaphore_mem>>
    %dma_start3A_324 = tpu.memref_squeeze %dma_start3A_323 : memref<1x!tpu.dma_semaphore, #tpu.memory_space<semaphore_mem>> -> memref<!tpu.dma_semaphore, #tpu.memory_space<semaphore_mem>>
    %dma_start3A_325 = arith.constant 0 : i32
    %dma_start3A_326 = tpu.memref_slice %arg4[%add3A_314, %dma_start3A_325] : memref<40960x128xi32, #tpu.memory_space<hbm>> -> memref<128x128xi32, #tpu.memory_space<hbm>>
    %dma_start3A_327 = arith.constant 0 : i32
    %dma_start3A_328 = arith.constant 0 : i32
    %dma_start3A_329 = tpu.memref_slice %arg6[%dma_start3A_315, %dma_start3A_327, %dma_start3A_328] : memref<6x128x128xi32, #tpu.memory_space<vmem>> -> memref<1x128x128xi32, #tpu.memory_space<vmem>>
    %dma_start3A_330 = tpu.memref_squeeze %dma_start3A_329 : memref<1x128x128xi32, #tpu.memory_space<vmem>> -> memref<128x128xi32, #tpu.memory_space<vmem>>
    tpu.enqueue_dma source(%dma_start3A_330 : memref<128x128xi32, #tpu.memory_space<vmem>>) target(%dma_start3A_326 : memref<128x128xi32, #tpu.memory_space<hbm>>) target_semaphore(%dma_start3A_324 : memref<!tpu.dma_semaphore, #tpu.memory_space<semaphore_mem>>)
    %add3A_331 = arith.constant 384 : i32
    %add3A_332 = arith.addi %mul3A_37, %add3A_331 : i32
    %dma_wait3A_333 = arith.constant 3 : i32
    %dma_wait3A_334 = arith.constant 3 : i32
    %dma_wait3A_335 = arith.constant 0 : i32
    %dma_wait3A_336 = arith.constant 0 : i32
    %dma_wait3A_337 = tpu.memref_slice %arg6[%dma_wait3A_333, %dma_wait3A_335, %dma_wait3A_336] : memref<6x128x128xi32, #tpu.memory_space<vmem>> -> memref<1x128x128xi32, #tpu.memory_space<vmem>>
    %dma_wait3A_338 = tpu.memref_squeeze %dma_wait3A_337 : memref<1x128x128xi32, #tpu.memory_space<vmem>> -> memref<128x128xi32, #tpu.memory_space<vmem>>
    %dma_wait3A_339 = arith.constant 0 : i32
    %dma_wait3A_340 = tpu.memref_slice %arg4[%add3A_332, %dma_wait3A_339] : memref<40960x128xi32, #tpu.memory_space<hbm>> -> memref<128x128xi32, #tpu.memory_space<hbm>>
    %dma_wait3A_341 = tpu.memref_slice %arg9[%dma_wait3A_334] : memref<6x!tpu.dma_semaphore, #tpu.memory_space<semaphore_mem>> -> memref<1x!tpu.dma_semaphore, #tpu.memory_space<semaphore_mem>>
    %dma_wait3A_342 = tpu.memref_squeeze %dma_wait3A_341 : memref<1x!tpu.dma_semaphore, #tpu.memory_space<semaphore_mem>> -> memref<!tpu.dma_semaphore, #tpu.memory_space<semaphore_mem>>
    %dma_wait3A_343 = arith.constant 0 : i32
    %dma_wait3A_344 = tpu.memref_slice %arg4[%add3A_332, %dma_wait3A_343] : memref<40960x128xi32, #tpu.memory_space<hbm>> -> memref<128x128xi32, #tpu.memory_space<hbm>>
    %dma_wait3A_345 = arith.constant 0 : i32
    %dma_wait3A_346 = arith.constant 0 : i32
    %dma_wait3A_347 = tpu.memref_slice %arg6[%dma_wait3A_333, %dma_wait3A_345, %dma_wait3A_346] : memref<6x128x128xi32, #tpu.memory_space<vmem>> -> memref<1x128x128xi32, #tpu.memory_space<vmem>>
    %dma_wait3A_348 = tpu.memref_squeeze %dma_wait3A_347 : memref<1x128x128xi32, #tpu.memory_space<vmem>> -> memref<128x128xi32, #tpu.memory_space<vmem>>
    tpu.wait_dma2 semaphore(%dma_wait3A_342 : memref<!tpu.dma_semaphore, #tpu.memory_space<semaphore_mem>>) src(%dma_wait3A_348 : memref<128x128xi32, #tpu.memory_space<vmem>>) dst(%dma_wait3A_344 : memref<128x128xi32, #tpu.memory_space<hbm>>)
    %dma_start3A_349 = arith.constant 3 : i32
    %dma_start3A_350 = arith.constant 3 : i32
    %dma_start3A_351 = arith.constant 0 : i32
    %dma_start3A_352 = arith.constant 0 : i32
    %dma_start3A_353 = tpu.memref_slice %arg6[%dma_start3A_349, %dma_start3A_351, %dma_start3A_352] : memref<6x128x128xi32, #tpu.memory_space<vmem>> -> memref<1x128x128xi32, #tpu.memory_space<vmem>>
    %dma_start3A_354 = tpu.memref_squeeze %dma_start3A_353 : memref<1x128x128xi32, #tpu.memory_space<vmem>> -> memref<128x128xi32, #tpu.memory_space<vmem>>
    %dma_start3A_355 = arith.constant 1152 : i32
    %dma_start3A_356 = tpu.memref_slice %arg5[%dma_start3A_355] : memref<1280xi32, #tpu.memory_space<vmem>> -> memref<128xi32, #tpu.memory_space<vmem>>
    %dma_start3A_357 = arith.constant 0 : i32
    %dma_start3A_358 = arith.constant 0 : i32
    %dma_start3A_359 = tpu.memref_slice %arg7[%dma_start3A_357, %dma_start3A_358] : memref<2752x128xi32, #tpu.memory_space<vmem_shared>> -> memref<2752x128xi32, #tpu.memory_space<vmem_shared>>
    %dma_start3A_360 = tpu.memref_slice %arg8[%dma_start3A_350] : memref<6x!tpu.dma_semaphore, #tpu.memory_space<semaphore_mem>> -> memref<1x!tpu.dma_semaphore, #tpu.memory_space<semaphore_mem>>
    %dma_start3A_361 = tpu.memref_squeeze %dma_start3A_360 : memref<1x!tpu.dma_semaphore, #tpu.memory_space<semaphore_mem>> -> memref<!tpu.dma_semaphore, #tpu.memory_space<semaphore_mem>>
    tpu.enqueue_indirect_dma source(%dma_start3A_359 : memref<2752x128xi32, #tpu.memory_space<vmem_shared>>) target(%dma_start3A_354 : memref<128x128xi32, #tpu.memory_space<vmem>>) offsets(%dma_start3A_356 : memref<128xi32, #tpu.memory_space<vmem>>) semaphore(%dma_start3A_361 : memref<!tpu.dma_semaphore, #tpu.memory_space<semaphore_mem>>)
    %dma_wait3A_362 = arith.constant 4 : i32
    %dma_wait3A_363 = arith.constant 4 : i32
    %dma_wait3A_364 = arith.constant 0 : i32
    %dma_wait3A_365 = arith.constant 0 : i32
    %dma_wait3A_366 = tpu.memref_slice %arg6[%dma_wait3A_362, %dma_wait3A_364, %dma_wait3A_365] : memref<6x128x128xi32, #tpu.memory_space<vmem>> -> memref<1x128x128xi32, #tpu.memory_space<vmem>>
    %dma_wait3A_367 = tpu.memref_squeeze %dma_wait3A_366 : memref<1x128x128xi32, #tpu.memory_space<vmem>> -> memref<128x128xi32, #tpu.memory_space<vmem>>
    %dma_wait3A_368 = arith.constant 512 : i32
    %dma_wait3A_369 = tpu.memref_slice %arg5[%dma_wait3A_368] : memref<1280xi32, #tpu.memory_space<vmem>> -> memref<128xi32, #tpu.memory_space<vmem>>
    %dma_wait3A_370 = arith.constant 0 : i32
    %dma_wait3A_371 = arith.constant 0 : i32
    %dma_wait3A_372 = tpu.memref_slice %arg7[%dma_wait3A_370, %dma_wait3A_371] : memref<2752x128xi32, #tpu.memory_space<vmem_shared>> -> memref<2752x128xi32, #tpu.memory_space<vmem_shared>>
    %dma_wait3A_373 = tpu.memref_slice %arg8[%dma_wait3A_363] : memref<6x!tpu.dma_semaphore, #tpu.memory_space<semaphore_mem>> -> memref<1x!tpu.dma_semaphore, #tpu.memory_space<semaphore_mem>>
    %dma_wait3A_374 = tpu.memref_squeeze %dma_wait3A_373 : memref<1x!tpu.dma_semaphore, #tpu.memory_space<semaphore_mem>> -> memref<!tpu.dma_semaphore, #tpu.memory_space<semaphore_mem>>
    tpu.wait_indirect_dma semaphore(%dma_wait3A_374 : memref<!tpu.dma_semaphore, #tpu.memory_space<semaphore_mem>>) src(%dma_wait3A_372 : memref<2752x128xi32, #tpu.memory_space<vmem_shared>>) dst(%dma_wait3A_367 : memref<128x128xi32, #tpu.memory_space<vmem>>)
    %add3A_375 = arith.constant 512 : i32
    %add3A_376 = arith.addi %mul3A_37, %add3A_375 : i32
    %dma_start3A_377 = arith.constant 4 : i32
    %dma_start3A_378 = arith.constant 4 : i32
    %dma_start3A_379 = arith.constant 0 : i32
    %dma_start3A_380 = arith.constant 0 : i32
    %dma_start3A_381 = tpu.memref_slice %arg6[%dma_start3A_377, %dma_start3A_379, %dma_start3A_380] : memref<6x128x128xi32, #tpu.memory_space<vmem>> -> memref<1x128x128xi32, #tpu.memory_space<vmem>>
    %dma_start3A_382 = tpu.memref_squeeze %dma_start3A_381 : memref<1x128x128xi32, #tpu.memory_space<vmem>> -> memref<128x128xi32, #tpu.memory_space<vmem>>
    %dma_start3A_383 = arith.constant 0 : i32
    %dma_start3A_384 = tpu.memref_slice %arg4[%add3A_376, %dma_start3A_383] : memref<40960x128xi32, #tpu.memory_space<hbm>> -> memref<128x128xi32, #tpu.memory_space<hbm>>
    %dma_start3A_385 = tpu.memref_slice %arg9[%dma_start3A_378] : memref<6x!tpu.dma_semaphore, #tpu.memory_space<semaphore_mem>> -> memref<1x!tpu.dma_semaphore, #tpu.memory_space<semaphore_mem>>
    %dma_start3A_386 = tpu.memref_squeeze %dma_start3A_385 : memref<1x!tpu.dma_semaphore, #tpu.memory_space<semaphore_mem>> -> memref<!tpu.dma_semaphore, #tpu.memory_space<semaphore_mem>>
    %dma_start3A_387 = arith.constant 0 : i32
    %dma_start3A_388 = tpu.memref_slice %arg4[%add3A_376, %dma_start3A_387] : memref<40960x128xi32, #tpu.memory_space<hbm>> -> memref<128x128xi32, #tpu.memory_space<hbm>>
    %dma_start3A_389 = arith.constant 0 : i32
    %dma_start3A_390 = arith.constant 0 : i32
    %dma_start3A_391 = tpu.memref_slice %arg6[%dma_start3A_377, %dma_start3A_389, %dma_start3A_390] : memref<6x128x128xi32, #tpu.memory_space<vmem>> -> memref<1x128x128xi32, #tpu.memory_space<vmem>>
    %dma_start3A_392 = tpu.memref_squeeze %dma_start3A_391 : memref<1x128x128xi32, #tpu.memory_space<vmem>> -> memref<128x128xi32, #tpu.memory_space<vmem>>
    tpu.enqueue_dma source(%dma_start3A_392 : memref<128x128xi32, #tpu.memory_space<vmem>>) target(%dma_start3A_388 : memref<128x128xi32, #tpu.memory_space<hbm>>) target_semaphore(%dma_start3A_386 : memref<!tpu.dma_semaphore, #tpu.memory_space<semaphore_mem>>)
    %dma_wait3A_393 = arith.constant 5 : i32
    %dma_wait3A_394 = arith.constant 5 : i32
    %dma_wait3A_395 = arith.constant 0 : i32
    %dma_wait3A_396 = arith.constant 0 : i32
    %dma_wait3A_397 = tpu.memref_slice %arg6[%dma_wait3A_393, %dma_wait3A_395, %dma_wait3A_396] : memref<6x128x128xi32, #tpu.memory_space<vmem>> -> memref<1x128x128xi32, #tpu.memory_space<vmem>>
    %dma_wait3A_398 = tpu.memref_squeeze %dma_wait3A_397 : memref<1x128x128xi32, #tpu.memory_space<vmem>> -> memref<128x128xi32, #tpu.memory_space<vmem>>
    %dma_wait3A_399 = arith.constant 640 : i32
    %dma_wait3A_400 = tpu.memref_slice %arg5[%dma_wait3A_399] : memref<1280xi32, #tpu.memory_space<vmem>> -> memref<128xi32, #tpu.memory_space<vmem>>
    %dma_wait3A_401 = arith.constant 0 : i32
    %dma_wait3A_402 = arith.constant 0 : i32
    %dma_wait3A_403 = tpu.memref_slice %arg7[%dma_wait3A_401, %dma_wait3A_402] : memref<2752x128xi32, #tpu.memory_space<vmem_shared>> -> memref<2752x128xi32, #tpu.memory_space<vmem_shared>>
    %dma_wait3A_404 = tpu.memref_slice %arg8[%dma_wait3A_394] : memref<6x!tpu.dma_semaphore, #tpu.memory_space<semaphore_mem>> -> memref<1x!tpu.dma_semaphore, #tpu.memory_space<semaphore_mem>>
    %dma_wait3A_405 = tpu.memref_squeeze %dma_wait3A_404 : memref<1x!tpu.dma_semaphore, #tpu.memory_space<semaphore_mem>> -> memref<!tpu.dma_semaphore, #tpu.memory_space<semaphore_mem>>
    tpu.wait_indirect_dma semaphore(%dma_wait3A_405 : memref<!tpu.dma_semaphore, #tpu.memory_space<semaphore_mem>>) src(%dma_wait3A_403 : memref<2752x128xi32, #tpu.memory_space<vmem_shared>>) dst(%dma_wait3A_398 : memref<128x128xi32, #tpu.memory_space<vmem>>)
    %add3A_406 = arith.constant 640 : i32
    %add3A_407 = arith.addi %mul3A_37, %add3A_406 : i32
    %dma_start3A_408 = arith.constant 5 : i32
    %dma_start3A_409 = arith.constant 5 : i32
    %dma_start3A_410 = arith.constant 0 : i32
    %dma_start3A_411 = arith.constant 0 : i32
    %dma_start3A_412 = tpu.memref_slice %arg6[%dma_start3A_408, %dma_start3A_410, %dma_start3A_411] : memref<6x128x128xi32, #tpu.memory_space<vmem>> -> memref<1x128x128xi32, #tpu.memory_space<vmem>>
    %dma_start3A_413 = tpu.memref_squeeze %dma_start3A_412 : memref<1x128x128xi32, #tpu.memory_space<vmem>> -> memref<128x128xi32, #tpu.memory_space<vmem>>
    %dma_start3A_414 = arith.constant 0 : i32
    %dma_start3A_415 = tpu.memref_slice %arg4[%add3A_407, %dma_start3A_414] : memref<40960x128xi32, #tpu.memory_space<hbm>> -> memref<128x128xi32, #tpu.memory_space<hbm>>
    %dma_start3A_416 = tpu.memref_slice %arg9[%dma_start3A_409] : memref<6x!tpu.dma_semaphore, #tpu.memory_space<semaphore_mem>> -> memref<1x!tpu.dma_semaphore, #tpu.memory_space<semaphore_mem>>
    %dma_start3A_417 = tpu.memref_squeeze %dma_start3A_416 : memref<1x!tpu.dma_semaphore, #tpu.memory_space<semaphore_mem>> -> memref<!tpu.dma_semaphore, #tpu.memory_space<semaphore_mem>>
    %dma_start3A_418 = arith.constant 0 : i32
    %dma_start3A_419 = tpu.memref_slice %arg4[%add3A_407, %dma_start3A_418] : memref<40960x128xi32, #tpu.memory_space<hbm>> -> memref<128x128xi32, #tpu.memory_space<hbm>>
    %dma_start3A_420 = arith.constant 0 : i32
    %dma_start3A_421 = arith.constant 0 : i32
    %dma_start3A_422 = tpu.memref_slice %arg6[%dma_start3A_408, %dma_start3A_420, %dma_start3A_421] : memref<6x128x128xi32, #tpu.memory_space<vmem>> -> memref<1x128x128xi32, #tpu.memory_space<vmem>>
    %dma_start3A_423 = tpu.memref_squeeze %dma_start3A_422 : memref<1x128x128xi32, #tpu.memory_space<vmem>> -> memref<128x128xi32, #tpu.memory_space<vmem>>
    tpu.enqueue_dma source(%dma_start3A_423 : memref<128x128xi32, #tpu.memory_space<vmem>>) target(%dma_start3A_419 : memref<128x128xi32, #tpu.memory_space<hbm>>) target_semaphore(%dma_start3A_417 : memref<!tpu.dma_semaphore, #tpu.memory_space<semaphore_mem>>)
    %dma_wait3A_424 = arith.constant 0 : i32
    %dma_wait3A_425 = arith.constant 0 : i32
    %dma_wait3A_426 = arith.constant 0 : i32
    %dma_wait3A_427 = arith.constant 0 : i32
    %dma_wait3A_428 = tpu.memref_slice %arg6[%dma_wait3A_424, %dma_wait3A_426, %dma_wait3A_427] : memref<6x128x128xi32, #tpu.memory_space<vmem>> -> memref<1x128x128xi32, #tpu.memory_space<vmem>>
    %dma_wait3A_429 = tpu.memref_squeeze %dma_wait3A_428 : memref<1x128x128xi32, #tpu.memory_space<vmem>> -> memref<128x128xi32, #tpu.memory_space<vmem>>
    %dma_wait3A_430 = arith.constant 768 : i32
    %dma_wait3A_431 = tpu.memref_slice %arg5[%dma_wait3A_430] : memref<1280xi32, #tpu.memory_space<vmem>> -> memref<128xi32, #tpu.memory_space<vmem>>
    %dma_wait3A_432 = arith.constant 0 : i32
    %dma_wait3A_433 = arith.constant 0 : i32
    %dma_wait3A_434 = tpu.memref_slice %arg7[%dma_wait3A_432, %dma_wait3A_433] : memref<2752x128xi32, #tpu.memory_space<vmem_shared>> -> memref<2752x128xi32, #tpu.memory_space<vmem_shared>>
    %dma_wait3A_435 = tpu.memref_slice %arg8[%dma_wait3A_425] : memref<6x!tpu.dma_semaphore, #tpu.memory_space<semaphore_mem>> -> memref<1x!tpu.dma_semaphore, #tpu.memory_space<semaphore_mem>>
    %dma_wait3A_436 = tpu.memref_squeeze %dma_wait3A_435 : memref<1x!tpu.dma_semaphore, #tpu.memory_space<semaphore_mem>> -> memref<!tpu.dma_semaphore, #tpu.memory_space<semaphore_mem>>
    tpu.wait_indirect_dma semaphore(%dma_wait3A_436 : memref<!tpu.dma_semaphore, #tpu.memory_space<semaphore_mem>>) src(%dma_wait3A_434 : memref<2752x128xi32, #tpu.memory_space<vmem_shared>>) dst(%dma_wait3A_429 : memref<128x128xi32, #tpu.memory_space<vmem>>)
    %add3A_437 = arith.constant 768 : i32
    %add3A_438 = arith.addi %mul3A_37, %add3A_437 : i32
    %dma_start3A_439 = arith.constant 0 : i32
    %dma_start3A_440 = arith.constant 0 : i32
    %dma_start3A_441 = arith.constant 0 : i32
    %dma_start3A_442 = arith.constant 0 : i32
    %dma_start3A_443 = tpu.memref_slice %arg6[%dma_start3A_439, %dma_start3A_441, %dma_start3A_442] : memref<6x128x128xi32, #tpu.memory_space<vmem>> -> memref<1x128x128xi32, #tpu.memory_space<vmem>>
    %dma_start3A_444 = tpu.memref_squeeze %dma_start3A_443 : memref<1x128x128xi32, #tpu.memory_space<vmem>> -> memref<128x128xi32, #tpu.memory_space<vmem>>
    %dma_start3A_445 = arith.constant 0 : i32
    %dma_start3A_446 = tpu.memref_slice %arg4[%add3A_438, %dma_start3A_445] : memref<40960x128xi32, #tpu.memory_space<hbm>> -> memref<128x128xi32, #tpu.memory_space<hbm>>
    %dma_start3A_447 = tpu.memref_slice %arg9[%dma_start3A_440] : memref<6x!tpu.dma_semaphore, #tpu.memory_space<semaphore_mem>> -> memref<1x!tpu.dma_semaphore, #tpu.memory_space<semaphore_mem>>
    %dma_start3A_448 = tpu.memref_squeeze %dma_start3A_447 : memref<1x!tpu.dma_semaphore, #tpu.memory_space<semaphore_mem>> -> memref<!tpu.dma_semaphore, #tpu.memory_space<semaphore_mem>>
    %dma_start3A_449 = arith.constant 0 : i32
    %dma_start3A_450 = tpu.memref_slice %arg4[%add3A_438, %dma_start3A_449] : memref<40960x128xi32, #tpu.memory_space<hbm>> -> memref<128x128xi32, #tpu.memory_space<hbm>>
    %dma_start3A_451 = arith.constant 0 : i32
    %dma_start3A_452 = arith.constant 0 : i32
    %dma_start3A_453 = tpu.memref_slice %arg6[%dma_start3A_439, %dma_start3A_451, %dma_start3A_452] : memref<6x128x128xi32, #tpu.memory_space<vmem>> -> memref<1x128x128xi32, #tpu.memory_space<vmem>>
    %dma_start3A_454 = tpu.memref_squeeze %dma_start3A_453 : memref<1x128x128xi32, #tpu.memory_space<vmem>> -> memref<128x128xi32, #tpu.memory_space<vmem>>
    tpu.enqueue_dma source(%dma_start3A_454 : memref<128x128xi32, #tpu.memory_space<vmem>>) target(%dma_start3A_450 : memref<128x128xi32, #tpu.memory_space<hbm>>) target_semaphore(%dma_start3A_448 : memref<!tpu.dma_semaphore, #tpu.memory_space<semaphore_mem>>)
    %dma_wait3A_455 = arith.constant 1 : i32
    %dma_wait3A_456 = arith.constant 1 : i32
    %dma_wait3A_457 = arith.constant 0 : i32
    %dma_wait3A_458 = arith.constant 0 : i32
    %dma_wait3A_459 = tpu.memref_slice %arg6[%dma_wait3A_455, %dma_wait3A_457, %dma_wait3A_458] : memref<6x128x128xi32, #tpu.memory_space<vmem>> -> memref<1x128x128xi32, #tpu.memory_space<vmem>>
    %dma_wait3A_460 = tpu.memref_squeeze %dma_wait3A_459 : memref<1x128x128xi32, #tpu.memory_space<vmem>> -> memref<128x128xi32, #tpu.memory_space<vmem>>
    %dma_wait3A_461 = arith.constant 896 : i32
    %dma_wait3A_462 = tpu.memref_slice %arg5[%dma_wait3A_461] : memref<1280xi32, #tpu.memory_space<vmem>> -> memref<128xi32, #tpu.memory_space<vmem>>
    %dma_wait3A_463 = arith.constant 0 : i32
    %dma_wait3A_464 = arith.constant 0 : i32
    %dma_wait3A_465 = tpu.memref_slice %arg7[%dma_wait3A_463, %dma_wait3A_464] : memref<2752x128xi32, #tpu.memory_space<vmem_shared>> -> memref<2752x128xi32, #tpu.memory_space<vmem_shared>>
    %dma_wait3A_466 = tpu.memref_slice %arg8[%dma_wait3A_456] : memref<6x!tpu.dma_semaphore, #tpu.memory_space<semaphore_mem>> -> memref<1x!tpu.dma_semaphore, #tpu.memory_space<semaphore_mem>>
    %dma_wait3A_467 = tpu.memref_squeeze %dma_wait3A_466 : memref<1x!tpu.dma_semaphore, #tpu.memory_space<semaphore_mem>> -> memref<!tpu.dma_semaphore, #tpu.memory_space<semaphore_mem>>
    tpu.wait_indirect_dma semaphore(%dma_wait3A_467 : memref<!tpu.dma_semaphore, #tpu.memory_space<semaphore_mem>>) src(%dma_wait3A_465 : memref<2752x128xi32, #tpu.memory_space<vmem_shared>>) dst(%dma_wait3A_460 : memref<128x128xi32, #tpu.memory_space<vmem>>)
    %add3A_468 = arith.constant 896 : i32
    %add3A_469 = arith.addi %mul3A_37, %add3A_468 : i32
    %dma_start3A_470 = arith.constant 1 : i32
    %dma_start3A_471 = arith.constant 1 : i32
    %dma_start3A_472 = arith.constant 0 : i32
    %dma_start3A_473 = arith.constant 0 : i32
    %dma_start3A_474 = tpu.memref_slice %arg6[%dma_start3A_470, %dma_start3A_472, %dma_start3A_473] : memref<6x128x128xi32, #tpu.memory_space<vmem>> -> memref<1x128x128xi32, #tpu.memory_space<vmem>>
    %dma_start3A_475 = tpu.memref_squeeze %dma_start3A_474 : memref<1x128x128xi32, #tpu.memory_space<vmem>> -> memref<128x128xi32, #tpu.memory_space<vmem>>
    %dma_start3A_476 = arith.constant 0 : i32
    %dma_start3A_477 = tpu.memref_slice %arg4[%add3A_469, %dma_start3A_476] : memref<40960x128xi32, #tpu.memory_space<hbm>> -> memref<128x128xi32, #tpu.memory_space<hbm>>
    %dma_start3A_478 = tpu.memref_slice %arg9[%dma_start3A_471] : memref<6x!tpu.dma_semaphore, #tpu.memory_space<semaphore_mem>> -> memref<1x!tpu.dma_semaphore, #tpu.memory_space<semaphore_mem>>
    %dma_start3A_479 = tpu.memref_squeeze %dma_start3A_478 : memref<1x!tpu.dma_semaphore, #tpu.memory_space<semaphore_mem>> -> memref<!tpu.dma_semaphore, #tpu.memory_space<semaphore_mem>>
    %dma_start3A_480 = arith.constant 0 : i32
    %dma_start3A_481 = tpu.memref_slice %arg4[%add3A_469, %dma_start3A_480] : memref<40960x128xi32, #tpu.memory_space<hbm>> -> memref<128x128xi32, #tpu.memory_space<hbm>>
    %dma_start3A_482 = arith.constant 0 : i32
    %dma_start3A_483 = arith.constant 0 : i32
    %dma_start3A_484 = tpu.memref_slice %arg6[%dma_start3A_470, %dma_start3A_482, %dma_start3A_483] : memref<6x128x128xi32, #tpu.memory_space<vmem>> -> memref<1x128x128xi32, #tpu.memory_space<vmem>>
    %dma_start3A_485 = tpu.memref_squeeze %dma_start3A_484 : memref<1x128x128xi32, #tpu.memory_space<vmem>> -> memref<128x128xi32, #tpu.memory_space<vmem>>
    tpu.enqueue_dma source(%dma_start3A_485 : memref<128x128xi32, #tpu.memory_space<vmem>>) target(%dma_start3A_481 : memref<128x128xi32, #tpu.memory_space<hbm>>) target_semaphore(%dma_start3A_479 : memref<!tpu.dma_semaphore, #tpu.memory_space<semaphore_mem>>)
    %dma_wait3A_486 = arith.constant 2 : i32
    %dma_wait3A_487 = arith.constant 2 : i32
    %dma_wait3A_488 = arith.constant 0 : i32
    %dma_wait3A_489 = arith.constant 0 : i32
    %dma_wait3A_490 = tpu.memref_slice %arg6[%dma_wait3A_486, %dma_wait3A_488, %dma_wait3A_489] : memref<6x128x128xi32, #tpu.memory_space<vmem>> -> memref<1x128x128xi32, #tpu.memory_space<vmem>>
    %dma_wait3A_491 = tpu.memref_squeeze %dma_wait3A_490 : memref<1x128x128xi32, #tpu.memory_space<vmem>> -> memref<128x128xi32, #tpu.memory_space<vmem>>
    %dma_wait3A_492 = arith.constant 1024 : i32
    %dma_wait3A_493 = tpu.memref_slice %arg5[%dma_wait3A_492] : memref<1280xi32, #tpu.memory_space<vmem>> -> memref<128xi32, #tpu.memory_space<vmem>>
    %dma_wait3A_494 = arith.constant 0 : i32
    %dma_wait3A_495 = arith.constant 0 : i32
    %dma_wait3A_496 = tpu.memref_slice %arg7[%dma_wait3A_494, %dma_wait3A_495] : memref<2752x128xi32, #tpu.memory_space<vmem_shared>> -> memref<2752x128xi32, #tpu.memory_space<vmem_shared>>
    %dma_wait3A_497 = tpu.memref_slice %arg8[%dma_wait3A_487] : memref<6x!tpu.dma_semaphore, #tpu.memory_space<semaphore_mem>> -> memref<1x!tpu.dma_semaphore, #tpu.memory_space<semaphore_mem>>
    %dma_wait3A_498 = tpu.memref_squeeze %dma_wait3A_497 : memref<1x!tpu.dma_semaphore, #tpu.memory_space<semaphore_mem>> -> memref<!tpu.dma_semaphore, #tpu.memory_space<semaphore_mem>>
    tpu.wait_indirect_dma semaphore(%dma_wait3A_498 : memref<!tpu.dma_semaphore, #tpu.memory_space<semaphore_mem>>) src(%dma_wait3A_496 : memref<2752x128xi32, #tpu.memory_space<vmem_shared>>) dst(%dma_wait3A_491 : memref<128x128xi32, #tpu.memory_space<vmem>>)
    %add3A_499 = arith.constant 1024 : i32
    %add3A_500 = arith.addi %mul3A_37, %add3A_499 : i32
    %dma_start3A_501 = arith.constant 2 : i32
    %dma_start3A_502 = arith.constant 2 : i32
    %dma_start3A_503 = arith.constant 0 : i32
    %dma_start3A_504 = arith.constant 0 : i32
    %dma_start3A_505 = tpu.memref_slice %arg6[%dma_start3A_501, %dma_start3A_503, %dma_start3A_504] : memref<6x128x128xi32, #tpu.memory_space<vmem>> -> memref<1x128x128xi32, #tpu.memory_space<vmem>>
    %dma_start3A_506 = tpu.memref_squeeze %dma_start3A_505 : memref<1x128x128xi32, #tpu.memory_space<vmem>> -> memref<128x128xi32, #tpu.memory_space<vmem>>
    %dma_start3A_507 = arith.constant 0 : i32
    %dma_start3A_508 = tpu.memref_slice %arg4[%add3A_500, %dma_start3A_507] : memref<40960x128xi32, #tpu.memory_space<hbm>> -> memref<128x128xi32, #tpu.memory_space<hbm>>
    %dma_start3A_509 = tpu.memref_slice %arg9[%dma_start3A_502] : memref<6x!tpu.dma_semaphore, #tpu.memory_space<semaphore_mem>> -> memref<1x!tpu.dma_semaphore, #tpu.memory_space<semaphore_mem>>
    %dma_start3A_510 = tpu.memref_squeeze %dma_start3A_509 : memref<1x!tpu.dma_semaphore, #tpu.memory_space<semaphore_mem>> -> memref<!tpu.dma_semaphore, #tpu.memory_space<semaphore_mem>>
    %dma_start3A_511 = arith.constant 0 : i32
    %dma_start3A_512 = tpu.memref_slice %arg4[%add3A_500, %dma_start3A_511] : memref<40960x128xi32, #tpu.memory_space<hbm>> -> memref<128x128xi32, #tpu.memory_space<hbm>>
    %dma_start3A_513 = arith.constant 0 : i32
    %dma_start3A_514 = arith.constant 0 : i32
    %dma_start3A_515 = tpu.memref_slice %arg6[%dma_start3A_501, %dma_start3A_513, %dma_start3A_514] : memref<6x128x128xi32, #tpu.memory_space<vmem>> -> memref<1x128x128xi32, #tpu.memory_space<vmem>>
    %dma_start3A_516 = tpu.memref_squeeze %dma_start3A_515 : memref<1x128x128xi32, #tpu.memory_space<vmem>> -> memref<128x128xi32, #tpu.memory_space<vmem>>
    tpu.enqueue_dma source(%dma_start3A_516 : memref<128x128xi32, #tpu.memory_space<vmem>>) target(%dma_start3A_512 : memref<128x128xi32, #tpu.memory_space<hbm>>) target_semaphore(%dma_start3A_510 : memref<!tpu.dma_semaphore, #tpu.memory_space<semaphore_mem>>)
    %dma_wait3A_517 = arith.constant 3 : i32
    %dma_wait3A_518 = arith.constant 3 : i32
    %dma_wait3A_519 = arith.constant 0 : i32
    %dma_wait3A_520 = arith.constant 0 : i32
    %dma_wait3A_521 = tpu.memref_slice %arg6[%dma_wait3A_517, %dma_wait3A_519, %dma_wait3A_520] : memref<6x128x128xi32, #tpu.memory_space<vmem>> -> memref<1x128x128xi32, #tpu.memory_space<vmem>>
    %dma_wait3A_522 = tpu.memref_squeeze %dma_wait3A_521 : memref<1x128x128xi32, #tpu.memory_space<vmem>> -> memref<128x128xi32, #tpu.memory_space<vmem>>
    %dma_wait3A_523 = arith.constant 1152 : i32
    %dma_wait3A_524 = tpu.memref_slice %arg5[%dma_wait3A_523] : memref<1280xi32, #tpu.memory_space<vmem>> -> memref<128xi32, #tpu.memory_space<vmem>>
    %dma_wait3A_525 = arith.constant 0 : i32
    %dma_wait3A_526 = arith.constant 0 : i32
    %dma_wait3A_527 = tpu.memref_slice %arg7[%dma_wait3A_525, %dma_wait3A_526] : memref<2752x128xi32, #tpu.memory_space<vmem_shared>> -> memref<2752x128xi32, #tpu.memory_space<vmem_shared>>
    %dma_wait3A_528 = tpu.memref_slice %arg8[%dma_wait3A_518] : memref<6x!tpu.dma_semaphore, #tpu.memory_space<semaphore_mem>> -> memref<1x!tpu.dma_semaphore, #tpu.memory_space<semaphore_mem>>
    %dma_wait3A_529 = tpu.memref_squeeze %dma_wait3A_528 : memref<1x!tpu.dma_semaphore, #tpu.memory_space<semaphore_mem>> -> memref<!tpu.dma_semaphore, #tpu.memory_space<semaphore_mem>>
    tpu.wait_indirect_dma semaphore(%dma_wait3A_529 : memref<!tpu.dma_semaphore, #tpu.memory_space<semaphore_mem>>) src(%dma_wait3A_527 : memref<2752x128xi32, #tpu.memory_space<vmem_shared>>) dst(%dma_wait3A_522 : memref<128x128xi32, #tpu.memory_space<vmem>>)
    %add3A_530 = arith.constant 1152 : i32
    %add3A_531 = arith.addi %mul3A_37, %add3A_530 : i32
    %dma_start3A_532 = arith.constant 3 : i32
    %dma_start3A_533 = arith.constant 3 : i32
    %dma_start3A_534 = arith.constant 0 : i32
    %dma_start3A_535 = arith.constant 0 : i32
    %dma_start3A_536 = tpu.memref_slice %arg6[%dma_start3A_532, %dma_start3A_534, %dma_start3A_535] : memref<6x128x128xi32, #tpu.memory_space<vmem>> -> memref<1x128x128xi32, #tpu.memory_space<vmem>>
    %dma_start3A_537 = tpu.memref_squeeze %dma_start3A_536 : memref<1x128x128xi32, #tpu.memory_space<vmem>> -> memref<128x128xi32, #tpu.memory_space<vmem>>
    %dma_start3A_538 = arith.constant 0 : i32
    %dma_start3A_539 = tpu.memref_slice %arg4[%add3A_531, %dma_start3A_538] : memref<40960x128xi32, #tpu.memory_space<hbm>> -> memref<128x128xi32, #tpu.memory_space<hbm>>
    %dma_start3A_540 = tpu.memref_slice %arg9[%dma_start3A_533] : memref<6x!tpu.dma_semaphore, #tpu.memory_space<semaphore_mem>> -> memref<1x!tpu.dma_semaphore, #tpu.memory_space<semaphore_mem>>
    %dma_start3A_541 = tpu.memref_squeeze %dma_start3A_540 : memref<1x!tpu.dma_semaphore, #tpu.memory_space<semaphore_mem>> -> memref<!tpu.dma_semaphore, #tpu.memory_space<semaphore_mem>>
    %dma_start3A_542 = arith.constant 0 : i32
    %dma_start3A_543 = tpu.memref_slice %arg4[%add3A_531, %dma_start3A_542] : memref<40960x128xi32, #tpu.memory_space<hbm>> -> memref<128x128xi32, #tpu.memory_space<hbm>>
    %dma_start3A_544 = arith.constant 0 : i32
    %dma_start3A_545 = arith.constant 0 : i32
    %dma_start3A_546 = tpu.memref_slice %arg6[%dma_start3A_532, %dma_start3A_544, %dma_start3A_545] : memref<6x128x128xi32, #tpu.memory_space<vmem>> -> memref<1x128x128xi32, #tpu.memory_space<vmem>>
    %dma_start3A_547 = tpu.memref_squeeze %dma_start3A_546 : memref<1x128x128xi32, #tpu.memory_space<vmem>> -> memref<128x128xi32, #tpu.memory_space<vmem>>
    tpu.enqueue_dma source(%dma_start3A_547 : memref<128x128xi32, #tpu.memory_space<vmem>>) target(%dma_start3A_543 : memref<128x128xi32, #tpu.memory_space<hbm>>) target_semaphore(%dma_start3A_541 : memref<!tpu.dma_semaphore, #tpu.memory_space<semaphore_mem>>)
    %add3A_548 = arith.constant 512 : i32
    %add3A_549 = arith.addi %mul3A_37, %add3A_548 : i32
    %dma_wait3A_550 = arith.constant 4 : i32
    %dma_wait3A_551 = arith.constant 4 : i32
    %dma_wait3A_552 = arith.constant 0 : i32
    %dma_wait3A_553 = arith.constant 0 : i32
    %dma_wait3A_554 = tpu.memref_slice %arg6[%dma_wait3A_550, %dma_wait3A_552, %dma_wait3A_553] : memref<6x128x128xi32, #tpu.memory_space<vmem>> -> memref<1x128x128xi32, #tpu.memory_space<vmem>>
    %dma_wait3A_555 = tpu.memref_squeeze %dma_wait3A_554 : memref<1x128x128xi32, #tpu.memory_space<vmem>> -> memref<128x128xi32, #tpu.memory_space<vmem>>
    %dma_wait3A_556 = arith.constant 0 : i32
    %dma_wait3A_557 = tpu.memref_slice %arg4[%add3A_549, %dma_wait3A_556] : memref<40960x128xi32, #tpu.memory_space<hbm>> -> memref<128x128xi32, #tpu.memory_space<hbm>>
    %dma_wait3A_558 = tpu.memref_slice %arg9[%dma_wait3A_551] : memref<6x!tpu.dma_semaphore, #tpu.memory_space<semaphore_mem>> -> memref<1x!tpu.dma_semaphore, #tpu.memory_space<semaphore_mem>>
    %dma_wait3A_559 = tpu.memref_squeeze %dma_wait3A_558 : memref<1x!tpu.dma_semaphore, #tpu.memory_space<semaphore_mem>> -> memref<!tpu.dma_semaphore, #tpu.memory_space<semaphore_mem>>
    %dma_wait3A_560 = arith.constant 0 : i32
    %dma_wait3A_561 = tpu.memref_slice %arg4[%add3A_549, %dma_wait3A_560] : memref<40960x128xi32, #tpu.memory_space<hbm>> -> memref<128x128xi32, #tpu.memory_space<hbm>>
    %dma_wait3A_562 = arith.constant 0 : i32
    %dma_wait3A_563 = arith.constant 0 : i32
    %dma_wait3A_564 = tpu.memref_slice %arg6[%dma_wait3A_550, %dma_wait3A_562, %dma_wait3A_563] : memref<6x128x128xi32, #tpu.memory_space<vmem>> -> memref<1x128x128xi32, #tpu.memory_space<vmem>>
    %dma_wait3A_565 = tpu.memref_squeeze %dma_wait3A_564 : memref<1x128x128xi32, #tpu.memory_space<vmem>> -> memref<128x128xi32, #tpu.memory_space<vmem>>
    tpu.wait_dma2 semaphore(%dma_wait3A_559 : memref<!tpu.dma_semaphore, #tpu.memory_space<semaphore_mem>>) src(%dma_wait3A_565 : memref<128x128xi32, #tpu.memory_space<vmem>>) dst(%dma_wait3A_561 : memref<128x128xi32, #tpu.memory_space<hbm>>)
    %add3A_566 = arith.constant 640 : i32
    %add3A_567 = arith.addi %mul3A_37, %add3A_566 : i32
    %dma_wait3A_568 = arith.constant 5 : i32
    %dma_wait3A_569 = arith.constant 5 : i32
    %dma_wait3A_570 = arith.constant 0 : i32
    %dma_wait3A_571 = arith.constant 0 : i32
    %dma_wait3A_572 = tpu.memref_slice %arg6[%dma_wait3A_568, %dma_wait3A_570, %dma_wait3A_571] : memref<6x128x128xi32, #tpu.memory_space<vmem>> -> memref<1x128x128xi32, #tpu.memory_space<vmem>>
    %dma_wait3A_573 = tpu.memref_squeeze %dma_wait3A_572 : memref<1x128x128xi32, #tpu.memory_space<vmem>> -> memref<128x128xi32, #tpu.memory_space<vmem>>
    %dma_wait3A_574 = arith.constant 0 : i32
    %dma_wait3A_575 = tpu.memref_slice %arg4[%add3A_567, %dma_wait3A_574] : memref<40960x128xi32, #tpu.memory_space<hbm>> -> memref<128x128xi32, #tpu.memory_space<hbm>>
    %dma_wait3A_576 = tpu.memref_slice %arg9[%dma_wait3A_569] : memref<6x!tpu.dma_semaphore, #tpu.memory_space<semaphore_mem>> -> memref<1x!tpu.dma_semaphore, #tpu.memory_space<semaphore_mem>>
    %dma_wait3A_577 = tpu.memref_squeeze %dma_wait3A_576 : memref<1x!tpu.dma_semaphore, #tpu.memory_space<semaphore_mem>> -> memref<!tpu.dma_semaphore, #tpu.memory_space<semaphore_mem>>
    %dma_wait3A_578 = arith.constant 0 : i32
    %dma_wait3A_579 = tpu.memref_slice %arg4[%add3A_567, %dma_wait3A_578] : memref<40960x128xi32, #tpu.memory_space<hbm>> -> memref<128x128xi32, #tpu.memory_space<hbm>>
    %dma_wait3A_580 = arith.constant 0 : i32
    %dma_wait3A_581 = arith.constant 0 : i32
    %dma_wait3A_582 = tpu.memref_slice %arg6[%dma_wait3A_568, %dma_wait3A_580, %dma_wait3A_581] : memref<6x128x128xi32, #tpu.memory_space<vmem>> -> memref<1x128x128xi32, #tpu.memory_space<vmem>>
    %dma_wait3A_583 = tpu.memref_squeeze %dma_wait3A_582 : memref<1x128x128xi32, #tpu.memory_space<vmem>> -> memref<128x128xi32, #tpu.memory_space<vmem>>
    tpu.wait_dma2 semaphore(%dma_wait3A_577 : memref<!tpu.dma_semaphore, #tpu.memory_space<semaphore_mem>>) src(%dma_wait3A_583 : memref<128x128xi32, #tpu.memory_space<vmem>>) dst(%dma_wait3A_579 : memref<128x128xi32, #tpu.memory_space<hbm>>)
    %add3A_584 = arith.constant 768 : i32
    %add3A_585 = arith.addi %mul3A_37, %add3A_584 : i32
    %dma_wait3A_586 = arith.constant 0 : i32
    %dma_wait3A_587 = arith.constant 0 : i32
    %dma_wait3A_588 = arith.constant 0 : i32
    %dma_wait3A_589 = arith.constant 0 : i32
    %dma_wait3A_590 = tpu.memref_slice %arg6[%dma_wait3A_586, %dma_wait3A_588, %dma_wait3A_589] : memref<6x128x128xi32, #tpu.memory_space<vmem>> -> memref<1x128x128xi32, #tpu.memory_space<vmem>>
    %dma_wait3A_591 = tpu.memref_squeeze %dma_wait3A_590 : memref<1x128x128xi32, #tpu.memory_space<vmem>> -> memref<128x128xi32, #tpu.memory_space<vmem>>
    %dma_wait3A_592 = arith.constant 0 : i32
    %dma_wait3A_593 = tpu.memref_slice %arg4[%add3A_585, %dma_wait3A_592] : memref<40960x128xi32, #tpu.memory_space<hbm>> -> memref<128x128xi32, #tpu.memory_space<hbm>>
    %dma_wait3A_594 = tpu.memref_slice %arg9[%dma_wait3A_587] : memref<6x!tpu.dma_semaphore, #tpu.memory_space<semaphore_mem>> -> memref<1x!tpu.dma_semaphore, #tpu.memory_space<semaphore_mem>>
    %dma_wait3A_595 = tpu.memref_squeeze %dma_wait3A_594 : memref<1x!tpu.dma_semaphore, #tpu.memory_space<semaphore_mem>> -> memref<!tpu.dma_semaphore, #tpu.memory_space<semaphore_mem>>
    %dma_wait3A_596 = arith.constant 0 : i32
    %dma_wait3A_597 = tpu.memref_slice %arg4[%add3A_585, %dma_wait3A_596] : memref<40960x128xi32, #tpu.memory_space<hbm>> -> memref<128x128xi32, #tpu.memory_space<hbm>>
    %dma_wait3A_598 = arith.constant 0 : i32
    %dma_wait3A_599 = arith.constant 0 : i32
    %dma_wait3A_600 = tpu.memref_slice %arg6[%dma_wait3A_586, %dma_wait3A_598, %dma_wait3A_599] : memref<6x128x128xi32, #tpu.memory_space<vmem>> -> memref<1x128x128xi32, #tpu.memory_space<vmem>>
    %dma_wait3A_601 = tpu.memref_squeeze %dma_wait3A_600 : memref<1x128x128xi32, #tpu.memory_space<vmem>> -> memref<128x128xi32, #tpu.memory_space<vmem>>
    tpu.wait_dma2 semaphore(%dma_wait3A_595 : memref<!tpu.dma_semaphore, #tpu.memory_space<semaphore_mem>>) src(%dma_wait3A_601 : memref<128x128xi32, #tpu.memory_space<vmem>>) dst(%dma_wait3A_597 : memref<128x128xi32, #tpu.memory_space<hbm>>)
    %add3A_602 = arith.constant 896 : i32
    %add3A_603 = arith.addi %mul3A_37, %add3A_602 : i32
    %dma_wait3A_604 = arith.constant 1 : i32
    %dma_wait3A_605 = arith.constant 1 : i32
    %dma_wait3A_606 = arith.constant 0 : i32
    %dma_wait3A_607 = arith.constant 0 : i32
    %dma_wait3A_608 = tpu.memref_slice %arg6[%dma_wait3A_604, %dma_wait3A_606, %dma_wait3A_607] : memref<6x128x128xi32, #tpu.memory_space<vmem>> -> memref<1x128x128xi32, #tpu.memory_space<vmem>>
    %dma_wait3A_609 = tpu.memref_squeeze %dma_wait3A_608 : memref<1x128x128xi32, #tpu.memory_space<vmem>> -> memref<128x128xi32, #tpu.memory_space<vmem>>
    %dma_wait3A_610 = arith.constant 0 : i32
    %dma_wait3A_611 = tpu.memref_slice %arg4[%add3A_603, %dma_wait3A_610] : memref<40960x128xi32, #tpu.memory_space<hbm>> -> memref<128x128xi32, #tpu.memory_space<hbm>>
    %dma_wait3A_612 = tpu.memref_slice %arg9[%dma_wait3A_605] : memref<6x!tpu.dma_semaphore, #tpu.memory_space<semaphore_mem>> -> memref<1x!tpu.dma_semaphore, #tpu.memory_space<semaphore_mem>>
    %dma_wait3A_613 = tpu.memref_squeeze %dma_wait3A_612 : memref<1x!tpu.dma_semaphore, #tpu.memory_space<semaphore_mem>> -> memref<!tpu.dma_semaphore, #tpu.memory_space<semaphore_mem>>
    %dma_wait3A_614 = arith.constant 0 : i32
    %dma_wait3A_615 = tpu.memref_slice %arg4[%add3A_603, %dma_wait3A_614] : memref<40960x128xi32, #tpu.memory_space<hbm>> -> memref<128x128xi32, #tpu.memory_space<hbm>>
    %dma_wait3A_616 = arith.constant 0 : i32
    %dma_wait3A_617 = arith.constant 0 : i32
    %dma_wait3A_618 = tpu.memref_slice %arg6[%dma_wait3A_604, %dma_wait3A_616, %dma_wait3A_617] : memref<6x128x128xi32, #tpu.memory_space<vmem>> -> memref<1x128x128xi32, #tpu.memory_space<vmem>>
    %dma_wait3A_619 = tpu.memref_squeeze %dma_wait3A_618 : memref<1x128x128xi32, #tpu.memory_space<vmem>> -> memref<128x128xi32, #tpu.memory_space<vmem>>
    tpu.wait_dma2 semaphore(%dma_wait3A_613 : memref<!tpu.dma_semaphore, #tpu.memory_space<semaphore_mem>>) src(%dma_wait3A_619 : memref<128x128xi32, #tpu.memory_space<vmem>>) dst(%dma_wait3A_615 : memref<128x128xi32, #tpu.memory_space<hbm>>)
    %add3A_620 = arith.constant 1024 : i32
    %add3A_621 = arith.addi %mul3A_37, %add3A_620 : i32
    %dma_wait3A_622 = arith.constant 2 : i32
    %dma_wait3A_623 = arith.constant 2 : i32
    %dma_wait3A_624 = arith.constant 0 : i32
    %dma_wait3A_625 = arith.constant 0 : i32
    %dma_wait3A_626 = tpu.memref_slice %arg6[%dma_wait3A_622, %dma_wait3A_624, %dma_wait3A_625] : memref<6x128x128xi32, #tpu.memory_space<vmem>> -> memref<1x128x128xi32, #tpu.memory_space<vmem>>
    %dma_wait3A_627 = tpu.memref_squeeze %dma_wait3A_626 : memref<1x128x128xi32, #tpu.memory_space<vmem>> -> memref<128x128xi32, #tpu.memory_space<vmem>>
    %dma_wait3A_628 = arith.constant 0 : i32
    %dma_wait3A_629 = tpu.memref_slice %arg4[%add3A_621, %dma_wait3A_628] : memref<40960x128xi32, #tpu.memory_space<hbm>> -> memref<128x128xi32, #tpu.memory_space<hbm>>
    %dma_wait3A_630 = tpu.memref_slice %arg9[%dma_wait3A_623] : memref<6x!tpu.dma_semaphore, #tpu.memory_space<semaphore_mem>> -> memref<1x!tpu.dma_semaphore, #tpu.memory_space<semaphore_mem>>
    %dma_wait3A_631 = tpu.memref_squeeze %dma_wait3A_630 : memref<1x!tpu.dma_semaphore, #tpu.memory_space<semaphore_mem>> -> memref<!tpu.dma_semaphore, #tpu.memory_space<semaphore_mem>>
    %dma_wait3A_632 = arith.constant 0 : i32
    %dma_wait3A_633 = tpu.memref_slice %arg4[%add3A_621, %dma_wait3A_632] : memref<40960x128xi32, #tpu.memory_space<hbm>> -> memref<128x128xi32, #tpu.memory_space<hbm>>
    %dma_wait3A_634 = arith.constant 0 : i32
    %dma_wait3A_635 = arith.constant 0 : i32
    %dma_wait3A_636 = tpu.memref_slice %arg6[%dma_wait3A_622, %dma_wait3A_634, %dma_wait3A_635] : memref<6x128x128xi32, #tpu.memory_space<vmem>> -> memref<1x128x128xi32, #tpu.memory_space<vmem>>
    %dma_wait3A_637 = tpu.memref_squeeze %dma_wait3A_636 : memref<1x128x128xi32, #tpu.memory_space<vmem>> -> memref<128x128xi32, #tpu.memory_space<vmem>>
    tpu.wait_dma2 semaphore(%dma_wait3A_631 : memref<!tpu.dma_semaphore, #tpu.memory_space<semaphore_mem>>) src(%dma_wait3A_637 : memref<128x128xi32, #tpu.memory_space<vmem>>) dst(%dma_wait3A_633 : memref<128x128xi32, #tpu.memory_space<hbm>>)
    %add3A_638 = arith.constant 1152 : i32
    %add3A_639 = arith.addi %mul3A_37, %add3A_638 : i32
    %dma_wait3A_640 = arith.constant 3 : i32
    %dma_wait3A_641 = arith.constant 3 : i32
    %dma_wait3A_642 = arith.constant 0 : i32
    %dma_wait3A_643 = arith.constant 0 : i32
    %dma_wait3A_644 = tpu.memref_slice %arg6[%dma_wait3A_640, %dma_wait3A_642, %dma_wait3A_643] : memref<6x128x128xi32, #tpu.memory_space<vmem>> -> memref<1x128x128xi32, #tpu.memory_space<vmem>>
    %dma_wait3A_645 = tpu.memref_squeeze %dma_wait3A_644 : memref<1x128x128xi32, #tpu.memory_space<vmem>> -> memref<128x128xi32, #tpu.memory_space<vmem>>
    %dma_wait3A_646 = arith.constant 0 : i32
    %dma_wait3A_647 = tpu.memref_slice %arg4[%add3A_639, %dma_wait3A_646] : memref<40960x128xi32, #tpu.memory_space<hbm>> -> memref<128x128xi32, #tpu.memory_space<hbm>>
    %dma_wait3A_648 = tpu.memref_slice %arg9[%dma_wait3A_641] : memref<6x!tpu.dma_semaphore, #tpu.memory_space<semaphore_mem>> -> memref<1x!tpu.dma_semaphore, #tpu.memory_space<semaphore_mem>>
    %dma_wait3A_649 = tpu.memref_squeeze %dma_wait3A_648 : memref<1x!tpu.dma_semaphore, #tpu.memory_space<semaphore_mem>> -> memref<!tpu.dma_semaphore, #tpu.memory_space<semaphore_mem>>
    %dma_wait3A_650 = arith.constant 0 : i32
    %dma_wait3A_651 = tpu.memref_slice %arg4[%add3A_639, %dma_wait3A_650] : memref<40960x128xi32, #tpu.memory_space<hbm>> -> memref<128x128xi32, #tpu.memory_space<hbm>>
    %dma_wait3A_652 = arith.constant 0 : i32
    %dma_wait3A_653 = arith.constant 0 : i32
    %dma_wait3A_654 = tpu.memref_slice %arg6[%dma_wait3A_640, %dma_wait3A_652, %dma_wait3A_653] : memref<6x128x128xi32, #tpu.memory_space<vmem>> -> memref<1x128x128xi32, #tpu.memory_space<vmem>>
    %dma_wait3A_655 = tpu.memref_squeeze %dma_wait3A_654 : memref<1x128x128xi32, #tpu.memory_space<vmem>> -> memref<128x128xi32, #tpu.memory_space<vmem>>
    tpu.wait_dma2 semaphore(%dma_wait3A_649 : memref<!tpu.dma_semaphore, #tpu.memory_space<semaphore_mem>>) src(%dma_wait3A_655 : memref<128x128xi32, #tpu.memory_space<vmem>>) dst(%dma_wait3A_651 : memref<128x128xi32, #tpu.memory_space<hbm>>)
    return
  }
}

module attributes {stable_mosaic.version = 14 : i64} {
  func.func @_prep_body(%arg0: i32, %arg1: memref<1x6x1369x384xf32, #tpu.memory_space<vmem>>, %arg2: memref<1x4x20480xf32, #tpu.memory_space<vmem>>, %arg3: memref<1x3x3xf32, #tpu.memory_space<vmem>>, %arg4: memref<1x4x4xf32, #tpu.memory_space<vmem>>, %arg5: memref<1x2xi32, #tpu.memory_space<smem>>, %arg6: memref<384x256xf32, #tpu.memory_space<vmem>>, %arg7: memref<1x256xf32, #tpu.memory_space<vmem>>, %arg8: memref<1x1376x128xi32, #tpu.memory_space<vmem>>, %arg9: memref<1x1x20480xi32, #tpu.memory_space<vmem>>) attributes {dimension_semantics = [#tpu.dimension_semantics<arbitrary>], iteration_bounds = array<i64: 2>, scalar_prefetch = 0 : i64, scratch_operands = 0 : i64, tpu.core_type = #tpu.core_type<tc>, window_params = [{transform_indices = @transform_0, window_bounds = array<i64: 1, 6, 1369, 384>}, {transform_indices = @transform_1, window_bounds = array<i64: 1, 4, 20480>}, {transform_indices = @transform_2, window_bounds = array<i64: 1, 3, 3>}, {transform_indices = @transform_3, window_bounds = array<i64: 1, 4, 4>}, {transform_indices = @transform_4, window_bounds = array<i64: 1, 2>}, {pipeline_mode = #tpu.pipeline_mode<synchronous>, transform_indices = @transform_5, window_bounds = array<i64: 384, 256>}, {pipeline_mode = #tpu.pipeline_mode<synchronous>, transform_indices = @transform_6, window_bounds = array<i64: 1, 256>}, {transform_indices = @transform_7, window_bounds = array<i64: 1, 1376, 128>}, {transform_indices = @transform_8, window_bounds = array<i64: 1, 1, 20480>}]} {
    %get3A = arith.constant 0 : index
    %get3A_0 = arith.constant 0 : index
    %get3A_1 = arith.constant 0 : index
    %get3A_2 = arith.constant 0 : index
    %get3A_3 = vector.load %arg1[%get3A, %get3A_0, %get3A_1, %get3A_2] : memref<1x6x1369x384xf32, #tpu.memory_space<vmem>>, vector<1x6x1369x384xf32>
    %get3A_4 = vector.shape_cast %get3A_3 : vector<1x6x1369x384xf32> to vector<6x1369x384xf32>
    %reduce_sum3A = arith.constant dense<0.000000e+00> : vector<1369x384xf32>
    %reduce_sum3A_5 = vector.multi_reduction <add>, %get3A_4, %reduce_sum3A [0] : vector<6x1369x384xf32> to vector<1369x384xf32>
    %div3A = arith.constant 6.000000e+00 : f32
    %div3A_6 = vector.broadcast %div3A : f32 to vector<1369x384xf32>
    %div3A_7 = arith.divf %reduce_sum3A_5, %div3A_6 : vector<1369x384xf32>
    %get3A_8 = arith.constant 0 : index
    %get3A_9 = arith.constant 0 : index
    %get3A_10 = vector.load %arg6[%get3A_8, %get3A_9] : memref<384x256xf32, #tpu.memory_space<vmem>>, vector<384x256xf32>
    %dot_general3A = arith.constant dense<0.000000e+00> : vector<1369x256xf32>
    %dot_general3A_11 = tpu.matmul %div3A_7, %get3A_10, %dot_general3A {dimension_numbers = #tpu.dot_dimension_numbers<[1], [0], [0], [1], [0, 0, 1, 1], [], []>, transpose_lhs_hint = false} : vector<1369x384xf32>, vector<384x256xf32>, vector<1369x256xf32> -> vector<1369x256xf32>
    %get3A_12 = arith.constant 0 : index
    %get3A_13 = arith.constant 0 : index
    %get3A_14 = vector.load %arg7[%get3A_12, %get3A_13] : memref<1x256xf32, #tpu.memory_space<vmem>>, vector<1x256xf32>
    %add3A = vector.broadcast %get3A_14 : vector<1x256xf32> to vector<1369x256xf32>
    %add3A_15 = arith.addf %dot_general3A_11, %add3A : vector<1369x256xf32>
    %broadcast_in_dim3A = arith.constant 0.000000e+00 : f32
    %broadcast_in_dim3A_16 = vector.broadcast %broadcast_in_dim3A : f32 to vector<7x256xf32>
    %concatenate3A = tpu.concatenate %add3A_15, %broadcast_in_dim3A_16 in 0 : vector<1369x256xf32>, vector<7x256xf32> -> vector<1376x256xf32>
    %convert_element_type3A = arith.truncf %concatenate3A : vector<1376x256xf32> to vector<1376x256xbf16>
    %slice3A = vector.extract_strided_slice %convert_element_type3A {offsets = [0, 0], sizes = [1376, 128], strides = [1, 1]} : vector<1376x256xbf16> to vector<1376x128xbf16>
    %bitcast_convert_type3A = tpu.bitcast %slice3A : vector<1376x128xbf16> -> vector<1376x128xi16>
    %convert_element_type3A_17 = arith.extui %bitcast_convert_type3A : vector<1376x128xi16> to vector<1376x128xi32>
    %slice3A_18 = vector.extract_strided_slice %convert_element_type3A {offsets = [0, 128], sizes = [1376, 128], strides = [1, 1]} : vector<1376x256xbf16> to vector<1376x128xbf16>
    %bitcast_convert_type3A_19 = tpu.bitcast %slice3A_18 : vector<1376x128xbf16> -> vector<1376x128xi16>
    %convert_element_type3A_20 = arith.extui %bitcast_convert_type3A_19 : vector<1376x128xi16> to vector<1376x128xi32>
    %shift_left3A = arith.constant 16 : i32
    %shift_left3A_21 = vector.broadcast %shift_left3A : i32 to vector<1376x128xi32>
    %shift_left3A_22 = arith.shli %convert_element_type3A_20, %shift_left3A_21 : vector<1376x128xi32>
    %or3A = arith.ori %convert_element_type3A_17, %shift_left3A_22 : vector<1376x128xi32>
    %swap3A = arith.constant 0 : index
    %swap3A_23 = arith.constant 0 : index
    %swap3A_24 = arith.constant 0 : index
    %swap3A_25 = vector.load %arg8[%swap3A, %swap3A_23, %swap3A_24] : memref<1x1376x128xi32, #tpu.memory_space<vmem>>, vector<1x1376x128xi32>
    %swap3A_26 = vector.shape_cast %swap3A_25 : vector<1x1376x128xi32> to vector<1376x128xi32>
    %swap3A_27 = vector.shape_cast %or3A : vector<1376x128xi32> to vector<1x1376x128xi32>
    tpu.vector_store %arg8[%swap3A, %swap3A_23, %swap3A_24], %swap3A_27 {strides = array<i32>} : memref<1x1376x128xi32, #tpu.memory_space<vmem>>, vector<1x1376x128xi32>,
    %get3A_28 = arith.constant 0 : index
    %get3A_29 = arith.constant 0 : index
    %get3A_30 = arith.constant 0 : index
    %get3A_31 = vector.load %arg2[%get3A_28, %get3A_29, %get3A_30] : memref<1x4x20480xf32, #tpu.memory_space<vmem>>, vector<1x4x20480xf32>
    %get3A_32 = vector.shape_cast %get3A_31 : vector<1x4x20480xf32> to vector<4x20480xf32>
    %convert_element_type3A_33 = arith.truncf %get3A_32 : vector<4x20480xf32> to vector<4x20480xbf16>
    %get3A_34 = arith.constant 0 : index
    %get3A_35 = arith.constant 0 : index
    %get3A_36 = arith.constant 0 : index
    %get3A_37 = vector.load %arg4[%get3A_34, %get3A_35, %get3A_36] : memref<1x4x4xf32, #tpu.memory_space<vmem>>, vector<1x4x4xf32>
    %get3A_38 = vector.shape_cast %get3A_37 : vector<1x4x4xf32> to vector<4x4xf32>
    %convert_element_type3A_39 = arith.truncf %get3A_38 : vector<4x4xf32> to vector<4x4xbf16>
    %dot_general3A_40 = arith.constant dense<0.000000e+00> : vector<4x20480xf32>
    %dot_general3A_41 = tpu.matmul %convert_element_type3A_39, %convert_element_type3A_33, %dot_general3A_40 {dimension_numbers = #tpu.dot_dimension_numbers<[1], [0], [0], [1], [0, 0, 1, 1], [], []>, transpose_lhs_hint = false} : vector<4x4xbf16>, vector<4x20480xbf16>, vector<4x20480xf32> -> vector<4x20480xf32>
    %slice3A_42 = vector.extract_strided_slice %dot_general3A_41 {offsets = [0, 0], sizes = [3, 20480], strides = [1, 1]} : vector<4x20480xf32> to vector<3x20480xf32>
    %convert_element_type3A_43 = arith.truncf %slice3A_42 : vector<3x20480xf32> to vector<3x20480xbf16>
    %get3A_44 = arith.constant 0 : index
    %get3A_45 = arith.constant 0 : index
    %get3A_46 = arith.constant 0 : index
    %get3A_47 = vector.load %arg3[%get3A_44, %get3A_45, %get3A_46] : memref<1x3x3xf32, #tpu.memory_space<vmem>>, vector<1x3x3xf32>
    %get3A_48 = vector.shape_cast %get3A_47 : vector<1x3x3xf32> to vector<3x3xf32>
    %convert_element_type3A_49 = arith.truncf %get3A_48 : vector<3x3xf32> to vector<3x3xbf16>
    %dot_general3A_50 = arith.constant dense<0.000000e+00> : vector<3x20480xf32>
    %dot_general3A_51 = tpu.matmul %convert_element_type3A_49, %convert_element_type3A_43, %dot_general3A_50 {dimension_numbers = #tpu.dot_dimension_numbers<[1], [0], [0], [1], [0, 0, 1, 1], [], []>, transpose_lhs_hint = false} : vector<3x3xbf16>, vector<3x20480xbf16>, vector<3x20480xf32> -> vector<3x20480xf32>
    %slice3A_52 = vector.extract_strided_slice %dot_general3A_51 {offsets = [2, 0], sizes = [1, 20480], strides = [1, 1]} : vector<3x20480xf32> to vector<1x20480xf32>
    %add3A_53 = arith.constant 9.99999996E-13 : f32
    %add3A_54 = vector.broadcast %add3A_53 : f32 to vector<1x20480xf32>
    %add3A_55 = arith.addf %slice3A_52, %add3A_54 : vector<1x20480xf32>
    %get3A_56 = arith.constant 0 : index
    %get3A_57 = arith.constant 0 : index
    %get3A_58 = memref.load %arg5[%get3A_56, %get3A_57] : memref<1x2xi32, #tpu.memory_space<smem>>
    %convert_element_type3A_59 = arith.sitofp %get3A_58 : i32 to f32
    %get3A_60 = arith.constant 0 : index
    %get3A_61 = arith.constant 1 : index
    %get3A_62 = memref.load %arg5[%get3A_60, %get3A_61] : memref<1x2xi32, #tpu.memory_space<smem>>
    %convert_element_type3A_63 = arith.sitofp %get3A_62 : i32 to f32
    %slice3A_64 = vector.extract_strided_slice %dot_general3A_51 {offsets = [0, 0], sizes = [1, 20480], strides = [1, 1]} : vector<3x20480xf32> to vector<1x20480xf32>
    %div3A_65 = arith.divf %slice3A_64, %add3A_55 : vector<1x20480xf32>
    %div3A_66 = arith.constant 5.180000e+02 : f32
    %div3A_67 = arith.divf %div3A_66, %convert_element_type3A_59 : f32
    %mul3A = vector.broadcast %div3A_67 : f32 to vector<1x20480xf32>
    %mul3A_68 = arith.mulf %div3A_65, %mul3A : vector<1x20480xf32>
    %slice3A_69 = vector.extract_strided_slice %dot_general3A_51 {offsets = [1, 0], sizes = [1, 20480], strides = [1, 1]} : vector<3x20480xf32> to vector<1x20480xf32>
    %div3A_70 = arith.divf %slice3A_69, %add3A_55 : vector<1x20480xf32>
    %div3A_71 = arith.constant 5.180000e+02 : f32
    %div3A_72 = arith.divf %div3A_71, %convert_element_type3A_63 : f32
    %mul3A_73 = vector.broadcast %div3A_72 : f32 to vector<1x20480xf32>
    %mul3A_74 = arith.mulf %div3A_70, %mul3A_73 : vector<1x20480xf32>
    %div3A_75 = arith.constant 1.400000e+01 : f32
    %div3A_76 = vector.broadcast %div3A_75 : f32 to vector<1x20480xf32>
    %div3A_77 = arith.divf %mul3A_68, %div3A_76 : vector<1x20480xf32>
    %convert_element_type3A_78 = arith.fptosi %div3A_77 : vector<1x20480xf32> to vector<1x20480xi32>
    %jit3A = arith.constant 0 : i32
    %jit3A_79 = arith.constant 36 : i32
    %max3A = vector.broadcast %jit3A : i32 to vector<1x20480xi32>
    %max3A_80 = arith.maxsi %max3A, %convert_element_type3A_78 : vector<1x20480xi32>
    %min3A = vector.broadcast %jit3A_79 : i32 to vector<1x20480xi32>
    %min3A_81 = arith.minsi %min3A, %max3A_80 : vector<1x20480xi32>
    %div3A_82 = arith.constant 1.400000e+01 : f32
    %div3A_83 = vector.broadcast %div3A_82 : f32 to vector<1x20480xf32>
    %div3A_84 = arith.divf %mul3A_74, %div3A_83 : vector<1x20480xf32>
    %convert_element_type3A_85 = arith.fptosi %div3A_84 : vector<1x20480xf32> to vector<1x20480xi32>
    %jit3A_86 = arith.constant 0 : i32
    %jit3A_87 = arith.constant 36 : i32
    %max3A_88 = vector.broadcast %jit3A_86 : i32 to vector<1x20480xi32>
    %max3A_89 = arith.maxsi %max3A_88, %convert_element_type3A_85 : vector<1x20480xi32>
    %min3A_90 = vector.broadcast %jit3A_87 : i32 to vector<1x20480xi32>
    %min3A_91 = arith.minsi %min3A_90, %max3A_89 : vector<1x20480xi32>
    %mul3A_92 = arith.constant 37 : i32
    %mul3A_93 = vector.broadcast %mul3A_92 : i32 to vector<1x20480xi32>
    %mul3A_94 = arith.muli %min3A_81, %mul3A_93 : vector<1x20480xi32>
    %add3A_95 = arith.addi %mul3A_94, %min3A_91 : vector<1x20480xi32>
    %mul3A_96 = arith.constant 1376 : i32
    %mul3A_97 = arith.muli %arg0, %mul3A_96 : i32
    %add3A_98 = vector.broadcast %mul3A_97 : i32 to vector<1x20480xi32>
    %add3A_99 = arith.addi %add3A_95, %add3A_98 : vector<1x20480xi32>
    %swap3A_100 = arith.constant 0 : index
    %swap3A_101 = arith.constant 0 : index
    %swap3A_102 = arith.constant 0 : index
    %swap3A_103 = vector.load %arg9[%swap3A_100, %swap3A_101, %swap3A_102] : memref<1x1x20480xi32, #tpu.memory_space<vmem>>, vector<1x1x20480xi32>
    %swap3A_104 = vector.shape_cast %swap3A_103 : vector<1x1x20480xi32> to vector<1x20480xi32>
    %swap3A_105 = vector.shape_cast %add3A_99 : vector<1x20480xi32> to vector<1x1x20480xi32>
    tpu.vector_store %arg9[%swap3A_100, %swap3A_101, %swap3A_102], %swap3A_105 {strides = array<i32>} : memref<1x1x20480xi32, #tpu.memory_space<vmem>>, vector<1x1x20480xi32>,
    return
  }
  func.func @transform_0(%arg0: i32) -> (i32, i32, i32, i32) {
    %c0_i32 = arith.constant 0 : i32
    %c0_i32_0 = arith.constant 0 : i32
    %c0_i32_1 = arith.constant 0 : i32
    %c0_i32_2 = arith.constant 0 : i32
    return %arg0, %c0_i32, %c0_i32_0, %c0_i32_1 : i32, i32, i32, i32
  }
  func.func @transform_1(%arg0: i32) -> (i32, i32, i32) {
    %c0_i32 = arith.constant 0 : i32
    %c0_i32_0 = arith.constant 0 : i32
    %c0_i32_1 = arith.constant 0 : i32
    return %arg0, %c0_i32, %c0_i32_0 : i32, i32, i32
  }
  func.func @transform_2(%arg0: i32) -> (i32, i32, i32) {
    %c0_i32 = arith.constant 0 : i32
    %c0_i32_0 = arith.constant 0 : i32
    %c0_i32_1 = arith.constant 0 : i32
    return %arg0, %c0_i32, %c0_i32_0 : i32, i32, i32
  }
  func.func @transform_3(%arg0: i32) -> (i32, i32, i32) {
    %c0_i32 = arith.constant 0 : i32
    %c0_i32_0 = arith.constant 0 : i32
    %c0_i32_1 = arith.constant 0 : i32
    return %arg0, %c0_i32, %c0_i32_0 : i32, i32, i32
  }
  func.func @transform_4(%arg0: i32) -> (i32, i32) {
    %c0_i32 = arith.constant 0 : i32
    %c0_i32_0 = arith.constant 0 : i32
    %c0_i32_1 = arith.constant 0 : i32
    return %c0_i32, %c0_i32_0 : i32, i32
  }
  func.func @transform_5(%arg0: i32) -> (i32, i32) {
    %c0_i32 = arith.constant 0 : i32
    %c0_i32_0 = arith.constant 0 : i32
    %c0_i32_1 = arith.constant 0 : i32
    return %c0_i32, %c0_i32_0 : i32, i32
  }
  func.func @transform_6(%arg0: i32) -> (i32, i32) {
    %c0_i32 = arith.constant 0 : i32
    %c0_i32_0 = arith.constant 0 : i32
    %c0_i32_1 = arith.constant 0 : i32
    return %c0_i32, %c0_i32_0 : i32, i32
  }
  func.func @transform_7(%arg0: i32) -> (i32, i32, i32) {
    %c0_i32 = arith.constant 0 : i32
    %c0_i32_0 = arith.constant 0 : i32
    %c0_i32_1 = arith.constant 0 : i32
    return %arg0, %c0_i32, %c0_i32_0 : i32, i32, i32
  }
  func.func @transform_8(%arg0: i32) -> (i32, i32, i32) {
    %c0_i32 = arith.constant 0 : i32
    %c0_i32_0 = arith.constant 0 : i32
    %c0_i32_1 = arith.constant 0 : i32
    return %arg0, %c0_i32, %c0_i32_0 : i32, i32, i32
  }
}

module attributes {stable_mosaic.version = 14 : i64} {
  func.func @_mlp_body(%arg0: i32, %arg1: i32, %arg2: memref<1x2000x128xi32, #tpu.memory_space<vmem>>, %arg3: memref<1x2000x64xf32, #tpu.memory_space<vmem>>, %arg4: memref<64x256xf32, #tpu.memory_space<vmem>>, %arg5: memref<256x16xf32, #tpu.memory_space<vmem>>, %arg6: memref<1x16xf32, #tpu.memory_space<vmem>>, %arg7: memref<1x2000x16xf32, #tpu.memory_space<vmem>>) attributes {dimension_semantics = [#tpu.dimension_semantics<arbitrary>, #tpu.dimension_semantics<arbitrary>], iteration_bounds = array<i64: 2, 10>, scalar_prefetch = 0 : i64, scratch_operands = 0 : i64, tpu.core_type = #tpu.core_type<tc>, window_params = [{transform_indices = @transform_0, window_bounds = array<i64: 1, 2000, 128>}, {transform_indices = @transform_1, window_bounds = array<i64: 1, 2000, 64>}, {pipeline_mode = #tpu.pipeline_mode<synchronous>, transform_indices = @transform_2, window_bounds = array<i64: 64, 256>}, {pipeline_mode = #tpu.pipeline_mode<synchronous>, transform_indices = @transform_3, window_bounds = array<i64: 256, 16>}, {pipeline_mode = #tpu.pipeline_mode<synchronous>, transform_indices = @transform_4, window_bounds = array<i64: 1, 16>}, {transform_indices = @transform_5, window_bounds = array<i64: 1, 2000, 16>}]} {
    %get3A = arith.constant 0 : index
    %get3A_0 = arith.constant 0 : index
    %get3A_1 = arith.constant 0 : index
    %get3A_2 = vector.load %arg2[%get3A, %get3A_0, %get3A_1] : memref<1x2000x128xi32, #tpu.memory_space<vmem>>, vector<1x2000x128xi32>
    %get3A_3 = vector.shape_cast %get3A_2 : vector<1x2000x128xi32> to vector<2000x128xi32>
    %and3A = arith.constant 65535 : i32
    %and3A_4 = vector.broadcast %and3A : i32 to vector<2000x128xi32>
    %and3A_5 = arith.andi %get3A_3, %and3A_4 : vector<2000x128xi32>
    %convert_element_type3A = arith.trunci %and3A_5 : vector<2000x128xi32> to vector<2000x128xi16>
    %bitcast_convert_type3A = tpu.bitcast %convert_element_type3A : vector<2000x128xi16> -> vector<2000x128xbf16>
    %convert_element_type3A_6 = arith.extf %bitcast_convert_type3A : vector<2000x128xbf16> to vector<2000x128xf32>
    %shift_right_logical3A = arith.constant 16 : i32
    %shift_right_logical3A_7 = vector.broadcast %shift_right_logical3A : i32 to vector<2000x128xi32>
    %shift_right_logical3A_8 = arith.shrui %get3A_3, %shift_right_logical3A_7 : vector<2000x128xi32>
    %convert_element_type3A_9 = arith.trunci %shift_right_logical3A_8 : vector<2000x128xi32> to vector<2000x128xi16>
    %bitcast_convert_type3A_10 = tpu.bitcast %convert_element_type3A_9 : vector<2000x128xi16> -> vector<2000x128xbf16>
    %convert_element_type3A_11 = arith.extf %bitcast_convert_type3A_10 : vector<2000x128xbf16> to vector<2000x128xf32>
    %concatenate3A = tpu.concatenate %convert_element_type3A_6, %convert_element_type3A_11 in 1 : vector<2000x128xf32>, vector<2000x128xf32> -> vector<2000x256xf32>
    %get3A_12 = arith.constant 0 : index
    %get3A_13 = arith.constant 0 : index
    %get3A_14 = arith.constant 0 : index
    %get3A_15 = vector.load %arg3[%get3A_12, %get3A_13, %get3A_14] : memref<1x2000x64xf32, #tpu.memory_space<vmem>>, vector<1x2000x64xf32>
    %get3A_16 = vector.shape_cast %get3A_15 : vector<1x2000x64xf32> to vector<2000x64xf32>
    %get3A_17 = arith.constant 0 : index
    %get3A_18 = arith.constant 0 : index
    %get3A_19 = vector.load %arg4[%get3A_17, %get3A_18] : memref<64x256xf32, #tpu.memory_space<vmem>>, vector<64x256xf32>
    %dot_general3A = arith.constant dense<0.000000e+00> : vector<2000x256xf32>
    %dot_general3A_20 = tpu.matmul %get3A_16, %get3A_19, %dot_general3A {dimension_numbers = #tpu.dot_dimension_numbers<[1], [0], [0], [1], [0, 0, 1, 1], [], []>, transpose_lhs_hint = false} : vector<2000x64xf32>, vector<64x256xf32>, vector<2000x256xf32> -> vector<2000x256xf32>
    %add3A = arith.addf %dot_general3A_20, %concatenate3A : vector<2000x256xf32>
    %max3A = arith.constant 0.000000e+00 : f32
    %max3A_21 = vector.broadcast %max3A : f32 to vector<2000x256xf32>
    %max3A_22 = arith.maximumf %add3A, %max3A_21 : vector<2000x256xf32>
    %get3A_23 = arith.constant 0 : index
    %get3A_24 = arith.constant 0 : index
    %get3A_25 = vector.load %arg5[%get3A_23, %get3A_24] : memref<256x16xf32, #tpu.memory_space<vmem>>, vector<256x16xf32>
    %dot_general3A_26 = arith.constant dense<0.000000e+00> : vector<2000x16xf32>
    %dot_general3A_27 = tpu.matmul %max3A_22, %get3A_25, %dot_general3A_26 {dimension_numbers = #tpu.dot_dimension_numbers<[1], [0], [0], [1], [0, 0, 1, 1], [], []>, transpose_lhs_hint = false} : vector<2000x256xf32>, vector<256x16xf32>, vector<2000x16xf32> -> vector<2000x16xf32>
    %get3A_28 = arith.constant 0 : index
    %get3A_29 = arith.constant 0 : index
    %get3A_30 = vector.load %arg6[%get3A_28, %get3A_29] : memref<1x16xf32, #tpu.memory_space<vmem>>, vector<1x16xf32>
    %add3A_31 = vector.broadcast %get3A_30 : vector<1x16xf32> to vector<2000x16xf32>
    %add3A_32 = arith.addf %dot_general3A_27, %add3A_31 : vector<2000x16xf32>
    %swap3A = arith.constant 0 : index
    %swap3A_33 = arith.constant 0 : index
    %swap3A_34 = arith.constant 0 : index
    %swap3A_35 = vector.load %arg7[%swap3A, %swap3A_33, %swap3A_34] : memref<1x2000x16xf32, #tpu.memory_space<vmem>>, vector<1x2000x16xf32>
    %swap3A_36 = vector.shape_cast %swap3A_35 : vector<1x2000x16xf32> to vector<2000x16xf32>
    %swap3A_37 = vector.shape_cast %add3A_32 : vector<2000x16xf32> to vector<1x2000x16xf32>
    tpu.vector_store %arg7[%swap3A, %swap3A_33, %swap3A_34], %swap3A_37 {strides = array<i32>} : memref<1x2000x16xf32, #tpu.memory_space<vmem>>, vector<1x2000x16xf32>,
    return
  }
  func.func @transform_0(%arg0: i32, %arg1: i32) -> (i32, i32, i32) {
    %c0_i32 = arith.constant 0 : i32
    %c0_i32_0 = arith.constant 0 : i32
    return %arg0, %arg1, %c0_i32 : i32, i32, i32
  }
  func.func @transform_1(%arg0: i32, %arg1: i32) -> (i32, i32, i32) {
    %c0_i32 = arith.constant 0 : i32
    %c0_i32_0 = arith.constant 0 : i32
    return %arg0, %arg1, %c0_i32 : i32, i32, i32
  }
  func.func @transform_2(%arg0: i32, %arg1: i32) -> (i32, i32) {
    %c0_i32 = arith.constant 0 : i32
    %c0_i32_0 = arith.constant 0 : i32
    %c0_i32_1 = arith.constant 0 : i32
    return %c0_i32, %c0_i32_0 : i32, i32
  }
  func.func @transform_3(%arg0: i32, %arg1: i32) -> (i32, i32) {
    %c0_i32 = arith.constant 0 : i32
    %c0_i32_0 = arith.constant 0 : i32
    %c0_i32_1 = arith.constant 0 : i32
    return %c0_i32, %c0_i32_0 : i32, i32
  }
  func.func @transform_4(%arg0: i32, %arg1: i32) -> (i32, i32) {
    %c0_i32 = arith.constant 0 : i32
    %c0_i32_0 = arith.constant 0 : i32
    %c0_i32_1 = arith.constant 0 : i32
    return %c0_i32, %c0_i32_0 : i32, i32
  }
  func.func @transform_5(%arg0: i32, %arg1: i32) -> (i32, i32, i32) {
    %c0_i32 = arith.constant 0 : i32
    %c0_i32_0 = arith.constant 0 : i32
    return %arg0, %arg1, %c0_i32 : i32, i32, i32
  }
}

</mosaic_0001>

<sc_bundles>
// kernel: kernel.5.cloned.1.call-start
scs
__scs_entry_jumppad:
0x0: {  	(pc) =	sbr.rel $0x88, $3  }
0x1: {  	(tag) =	ssettag $0x0;
	lr =	simm.s32 $0x1  }
0x2: {  	[smem:$0x3F97] =	sst lr;
	_ =	strace $0xD0000000  }
0x3: {  	_ = 	snop  }
0x4: {  	_ = 	snop  }
0x5: {  	_ = 	snop  }
0x6: {  	_ = 	snop  }
0x7: {  	_ = 	snop  }
__scs_overlays_trampoline_lowered:
0x8: {  	[smem:$0x3FA6] =	sst s0  }
0x9: {  	[smem:$0x3FA7] =	sst s1  }
0xa: {  	[smem:$0x3FA8] =	sst s2  }
0xb: {  	[smem:$0x3FA9] =	sst s3  }
0xc: {  	[smem:$0x3FAA] =	sst s4  }
0xd: {  	[smem:$0x3FAB] =	sst s5  }
0xe: {  	[smem:$0x3FAC] =	sst s6  }
0xf: {  	[smem:$0x3FAD] =	sst s7  }
0x10: {  	[smem:$0x3FAE] =	sst s8  }
0x11: {  	[smem:$0x3FAF] =	sst s9;
	s0 =	simm.s32 @!p0 $0x0  }
0x12: {  	s1 =	sld [smem:$0x3F95];
	s0 =	simm.s32 @p0 $0x1  }
0x13: {  	[smem:$0x3FB0] =	sst s0;
	s0 =	simm.s32 @!p1 $0x0  }
0x14: {  	s2 =	sld [smem:$0x3F94];
	s0 =	simm.s32 @p1 $0x1  }
0x15: {  	[smem:$0x3FB1] =	sst s0;
	s0 =	simm.s32 @!p2 $0x0  }
0x16: {  	s3 =	sld [smem:$0x3FDB];
	s0 =	simm.s32 @p2 $0x1  }
0x17: {  	s4 =	simm.s32 $0x1BF5;
	[smem:$0x3FB3] =	sst s0  }
0x18: {  	s0 =	sld [smem:$0x3F96];
	_ =	swait.ge [sflag:s4], $0x0  }
0x19: {  	s7 =	sld [smem:$0x3F97]  }
0x1a: {  	s8 =	sadd.s32 $0xFFFFE003, lr  }
0x1b: {  	s9 =	sadd.s32 $0xFFFFFEF7, lr;
	s5 =	simm.s32 $0xFFFFFFFF;
	p2 =	slt.u32 s8, $0xFFFFF086  }
0x1c: {  	p1 =	slt.u32 s9, $0xF7A;
	s5 =	simm.s32 @!p2 $0x0  }
0x1d: {  	s5 =	simm.s32 @p1 $0x1;
	p0 =	seq.s32 s7, s2  }
0x1e: {  	s7 =	smul.u32 @!p0 $0xF7A, s2;
	p2 =	seq.s32 @!p0 s5, $0x0  }
0x1f: {  	s9 =	smul.u32 $0xF7A, s1;
	s8 =	simm.s32 @!p0 $0x1BF5;
	p2 =	por !p2, p0  }
0x20: {  	[sflag:s8] =	ssyncset.s32 @!p0 $0xFFFFF086;
	s6 =	sadd.s32 @!p0 s3, s7;
	s7 =	simm.s32 @!p0 $0x108  }
0x21: {  	s3 =	sadd.s32 s3, s9;
	s6 =	sadd.s32 @!p0 $0x88, s6;
	s7 =	simm.s32 @p2 $0x1082  }
0x22: {  	[simem:s7], [sflag:s8] =	dma.local @!p0 [hbm:s6], $0xF7A  }
0x23: {  	s9 =	sor.u32 $0xD0000000, s2;
	s6 =	simm.s32 $0x108;
	_ =	swait.ge @!p0 [sflag:s8], $0x0  }
0x24: {  	s3 =	sadd.s32 $0x88, s3;
	s6 =	simm.s32 @!p1 $0x1082;
	[sflag:s4] =	ssyncset.s32 $0xFFFFF086  }
0x25: {  	[simem:s6], [sflag:s4] =	dma.local [hbm:s3], $0xF7A  }
0x26: {  	[smem:$0x3F97] =	sst s1;
	(tag) =	ssettag s2;
	_ =	strace s9  }
0x27: {  	s1 =	sld [smem:$0x3FA7]  }
0x28: {  	s2 =	sld [smem:$0x3FA8]  }
0x29: {  	s4 =	sld [smem:$0x3FAA]  }
0x2a: {  	p0 =	seq.s32 s5, $0x0;
	s5 =	sld [smem:$0x3FAB]  }
0x2b: {  	s6 =	sld [smem:$0x3FAC]  }
0x2c: {  	s7 =	sld [smem:$0x3FAD]  }
0x2d: {  	s3 =	simm.s32 $0x108;
	s8 =	sld [smem:$0x3FAE]  }
0x2e: {  	s3 =	simm.s32 @!p0 $0x1082;
	s9 =	sld [smem:$0x3FAF]  }
0x2f: {  	lr =	sadd.s32 s0, s3;
	s0 =	sld [smem:$0x3FA6]  }
0x30: {  	s3 =	sld [smem:$0x3FA9]  }
0x31: {  	[smem:$0x3FB2] =	sst s10  }
0x32: {  	s10 =	sld [smem:$0x3FB0];
	_ =	sdelay $0x3  }
0x33: {  	p0 =	seq.s32 s10, $0x1;
	s10 =	sld [smem:$0x3FB2];
	_ =	sdelay $0x3  }
0x34: {  	[smem:$0x3FB2] =	sst s10  }
0x35: {  	s10 =	sld [smem:$0x3FB1];
	_ =	sdelay $0x3  }
0x36: {  	p1 =	seq.s32 s10, $0x1;
	s10 =	sld [smem:$0x3FB2];
	_ =	sdelay $0x3  }
0x37: {  	[smem:$0x3FB2] =	sst s10  }
0x38: {  	s10 =	sld [smem:$0x3FB3]  }
0x39: {  	_ = 	snop;
	(pc) =	sbr.ind lr, $3  }
0x3a: {  	_ = 	snop  }
0x3b: {  	_ = 	snop  }
0x3c: {  	p2 =	seq.s32 s10, $0x1;
	s10 =	sld [smem:$0x3FB2]  }
0x3d: {  	_ =	shalt  }
0x3e: {  	_ =	shalt  }
0x3f: {  	_ =	shalt  }
0x40: {  	_ =	shalt  }
0x41: {  	_ =	shalt  }
0x42: {  	_ =	shalt  }
0x43: {  	_ =	shalt  }
0x44: {  	_ =	shalt  }
0x45: {  	_ =	shalt  }
0x46: {  	_ =	shalt  }
0x47: {  	_ =	shalt  }
0x48: {  	_ =	shalt  }
0x49: {  	_ =	shalt  }
0x4a: {  	_ =	shalt  }
0x4b: {  	_ =	shalt  }
0x4c: {  	_ =	shalt  }
0x4d: {  	_ =	shalt  }
0x4e: {  	_ =	shalt  }
0x4f: {  	_ =	shalt  }
0x50: {  	_ =	shalt  }
0x51: {  	_ =	shalt  }
0x52: {  	_ =	shalt  }
0x53: {  	_ =	shalt  }
0x54: {  	_ =	shalt  }
0x55: {  	_ =	shalt  }
0x56: {  	_ =	shalt  }
0x57: {  	_ =	shalt  }
0x58: {  	_ =	shalt  }
0x59: {  	_ =	shalt  }
0x5a: {  	_ =	shalt  }
0x5b: {  	_ =	shalt  }
0x5c: {  	_ =	shalt  }
0x5d: {  	_ =	shalt  }
0x5e: {  	_ =	shalt  }
0x5f: {  	_ =	shalt  }
0x60: {  	_ =	shalt  }
0x61: {  	_ =	shalt  }
0x62: {  	_ =	shalt  }
0x63: {  	_ =	shalt  }
0x64: {  	_ =	shalt  }
0x65: {  	_ =	shalt  }
0x66: {  	_ =	shalt  }
0x67: {  	_ =	shalt  }
0x68: {  	_ =	shalt  }
0x69: {  	_ =	shalt  }
0x6a: {  	_ =	shalt  }
0x6b: {  	_ =	shalt  }
0x6c: {  	_ =	shalt  }
0x6d: {  	_ =	shalt  }
0x6e: {  	_ =	shalt  }
0x6f: {  	_ =	shalt  }
0x70: {  	_ =	shalt  }
0x71: {  	_ =	shalt  }
0x72: {  	_ =	shalt  }
0x73: {  	_ =	shalt  }
0x74: {  	_ =	shalt  }
0x75: {  	_ =	shalt  }
0x76: {  	_ =	shalt  }
0x77: {  	_ =	shalt  }
0x78: {  	_ =	shalt  }
0x79: {  	_ =	shalt  }
0x7a: {  	_ =	shalt  }
0x7b: {  	_ =	shalt  }
0x7c: {  	_ =	shalt  }
0x7d: {  	_ =	shalt  }
0x7e: {  	_ =	shalt  }
0x7f: {  	_ =	shalt  }
0x80: {  	_ =	shalt  }
0x81: {  	_ =	shalt  }
0x82: {  	_ =	shalt  }
0x83: {  	_ =	shalt  }
0x84: {  	_ =	shalt  }
0x85: {  	_ =	shalt  }
0x86: {  	_ =	shalt  }
0x87: {  	_ =	shalt  }
.Lfunc_end0:
.L_simem_size_0:
called_computation_lowered:
.L_overlay_start_0:
0x88: {  	s2 =	sld [smem:$0x3FD9]  }
0x89: {  	s3 =	sld [smem:$0x3FFE];
	_ =	sdelay $0x1  }
0x8a: {  	s1 =	srdreg.scid  }
0x8b: {  	s0 =	sand.u32 $0x1, s1  }
0x8c: {  	s17 =	sshll.u32 s0, $0xA;
	s2 =	sadd.s32 s3, s2  }
0x8d: {  	s2 =	sadd.s32 s2, s17  }
0x8e: {  	[smem:$0x3FBE] =	sst s2  }
0x8f: {  	_ = 	snop  }
0x90: {  	s2 =	sld [smem:$0x3FD0];
	(tm) =	ssettm $0x1  }
0x91: {  	s18 =	sld [smem:$0x3FFB];
	_ =	sdelay $0x3  }
0x92: {  	_ =	strace s18  }
0x93: {  	s3 =	sld [smem:$0x3FFC];
	_ =	sdelay $0x3  }
0x94: {  	_ =	strace s3  }
0x95: {  	s3 =	sld [smem:$0x3FFD];
	_ =	sdelay $0x3  }
0x96: {  	_ =	strace s3  }
0x97: {  	_ =	strace $0x8FFFFFFF  }
0x98: {  	s19 =	sld [smem:$0x3FDB];
	_ =	sdelay $0x1  }
0x99: {  	s4 =	simm.s32 $_scs_section_size  }
0x9a: {  	s5 =	simm.s32 $_size__tile_overlayer_lowered;
	s6 =	simm.s32 $_tile_overlayer_lowered  }
0x9b: {  	s22 =	simm.s32 $0x1BFF;
	s21 =	sshll.u32 s6, $0x1;
	s3 =	sadd.s32 s4, s19  }
0x9c: {  	s7 =	simm.s32 $0x0;
	s20 =	sshll.u32 s5, $0x1;
	s5 =	sadd.s32 s21, s3  }
0x9d: {  	[timem:s7], [sflag:s22] =	dma.local [hbm:s5], s20  }
0x9e: {  	_ =	swait.ge [sflag:s22], s20  }
0x9f: {  	s4 =	ssub.s32 $0x0, s20;
	[sflag:s22] =	ssyncset.done $0x0  }
0xa0: {  	[sflag:s22] =	ssyncadd.s32 s4;
	_ =	sdelay $0x1  }
0xa1: {  	s23 =	simm.s32 $0x1B8B  }
0xa2: {  	_ =	swait.ge [sflag:s23], $0x1  }
0xa3: {  	[sflag:s23] =	ssyncset.done $0x0  }
0xa4: {  	s25 =	simm.s32 $0x1B8E;
	s24 =	sld [smem:$0x3FFE];
	[sflag:s23] =	ssyncadd.s32 $0xFFFFFFFF  }
0xa5: {  	s26 =	simm.s32 $execute0_lowered;
	[smem:$0x3FD2] =	sst s25  }
0xa6: {  	s5 =	sshll.u32 s26, $0x1;
	_ =	strace $0x80000046;
	[dreg:$0x1] =	wrdreg $0xFFFFFFFF  }
0xa7: {  	s28 =	simm.s32 $_size_execute0_lowered;
	s3 =	sadd.s32 s3, s5;
	[dreg:$0x0] =	wrdreg $0x0  }
0xa8: {  	s5 =	sshll.u32 s28, $0x1;
	[dreg:$0x2] =	wrdreg s3  }
0xa9: {  	[dreg:$0x3] =	wrdreg s5  }
0xaa: {  	[dreg:$0x4] =	wrdreg $0xC0  }
0xab: {  	_ =	task [dreg:s7], $0x5FFFF  }
0xac: {  	[dreg:$0x1] =	wrdreg $0xFFFFFFFF  }
0xad: {  	[dreg:$0x0] =	wrdreg $0x60  }
0xae: {  	[dreg:$0x2] =	wrdreg s2  }
0xaf: {  	[dreg:$0x3] =	wrdreg s24  }
0xb0: {  	[dreg:$0x4] =	wrdreg $0x185000  }
0xb1: {  	[dreg:$0x5] =	wrdreg $0x9  }
0xb2: {  	_ =	task.clear_ibuf [dreg:s7], $0x6FFFF;
	_ =	strace $0x90000046  }
0xb3: {  	s29 =	simm.s32 $0x9;
	_ =	strace $0x80000048  }
0xb4: {  	_ =	swait.ge [sflag:s29], $0x1  }
0xb5: {  	[sflag:s29] =	ssyncadd.s32 $0xFFFFFFFF  }
0xb6: {  	_ =	strace $0x90000048  }
0xb7: {  	_ =	sfence  }
0xb8: {  	s30 =	sld [smem:$0x0];
	_ =	sdelay $0x2  }
0xb9: {  	s31 =	sshll.u32 s1, $0xD;
	s1 =	sshrl.u32 s1, $0x2  }
0xba: {  	s3 =	sand.u32 $0x4000, s31;
	s1 =	sadd.s32 s1, s30  }
0xbb: {  	s0 =	sor.u32 s3, s0;
	s1 =	sshll.u32 s1, $0x11  }
0xbc: {  	s0 =	sor.u32 s1, s0  }
0xbd: {  	s0 =	sadd.s32 $0x8F2B, s0  }
0xbe: {  	[sflag:s0] =	ssyncadd.remote.s32 $0x1  }
0xbf: {  	_ =	sfence.sel $0xFFFF  }
0xc0: {  	[dreg:$0x0] =	wrdreg $0xFFFFFFFF;
	(pc) =	sbr.abs _section_cstart, $3  }
0xc1: {  	[dreg:$0x1] =	wrdreg $0xFFFFFFFF  }
0xc2: {  	_ =	task.clear_ibuf [dreg:s7], $0x2FFFF;
	_ =	strace $0x9FFFFFFF  }
0xc3: {  	(tm) =	ssettm $0x7FFFFFFF  }
tec
execute0_lowered:
.L_overlay_start_1:
0x0: {  	(tag) =	ssettag $0x1  }
0x1: {  	s1 =	rddreg [dreg:$0x0]  }
0x2: {  	s0 =	srdreg.scid;
	s5 =	rddreg [dreg:$0x1]  }
0x3: {  	s3 =	stileid.u32;
	s30 =	rddreg [dreg:$0x3]  }
0x4: {  	s28 =	simm.s32 $0xD;
	s25 =	simm.s32 $0x100;
	s10 =	simm.s32 $0x500  }
0x5: {  	s26 =	simm.s32 $0x180;
	s9 =	simm.s32 $0x4500;
	s29 =	simm.s32 $0x200  }
0x6: {  	s8 =	simm.s32 $0x8500;
	s31 =	simm.s32 $0x280;
	s12 =	simm.s32 $0x3  }
0x7: {  	s11 =	simm.s32 $0x4;
	p1 =	por $0x0, $0x0;
	s0 =	sand.u32 $0x1, s0  }
0x8: {  	s2 =	sshll.u32 s3, $0x1;
	[dreg:$0x4] =	wrdreg s1;
	s14 =	sshrl.u32 s3, $0x3  }
0x9: {  	s1 =	simm.s32 $0x0;
	s4 =	sor.u32 s0, s2;
	s2 =	rddreg [dreg:$0x2]  }
0xa: {  	p0 =	sne.s32 s3, $0x0;
	s7 =	smul.u32 $0x5000, s14;
	[smem:$0x7FF] =	sst s1  }
0xb: {  	s15 =	smul.u32 $0x5000, s4;
	_ =	strace $0x80000047;
	[dreg:$0x10] =	wrdreg s25  }
0xc: {  	s6 =	sand.u32 $0xF, s4;
	s4 =	smul.u32 $0x28000, s4;
	[dreg:$0x11] =	wrdreg s26  }
0xd: {  	s0 =	ssub.s32 $0x2, s0;
	[dreg:$0x12] =	wrdreg s29;
	s6 =	smul.u32 $0x500, s6  }
0xe: {  	s23 =	sshrl.u32 s0, $0x1;
	s3 =	sshrl.u32 @!p0 s2, $0x3;
	[dreg:$0x13] =	wrdreg s31  }
0xf: {  	s0 =	ssub.s32 s0, s23;
	[dreg:$0xf] =	wrdreg s3;
	s6 =	sadd.s32 s7, s6  }
0x10: {  	s4 =	sshrl.u32 s4, $0x3;
	s0 =	smax.u32 s0, $0x1;
	s6 =	sshrl.u32 s6, $0x3  }
0x11: {  	s23 =	sadd.s32 $0xFFFFFFFF, s0;
	s6 =	sadd.s32 s6, s5;
	s5 =	sadd.s32 $0x2E00, s5  }
0x12: {  	s0 =	rddreg [dreg:$0xf];
	s6 =	sadd.s32 $0x1A00, s6;
	s17 =	sadd.s32 s5, s15  }
0x13: {  	s4 =	sadd.s32 s5, s4;
	[dreg:$0x5] =	wrdreg s6;
	s16 =	sadd.s32 $0x800, s17  }
0x14: {  	s13 =	simm.s32 $0xC;
	s5 =	sadd.s32 $0x1000, s4;
	[dreg:$0x6] =	wrdreg s16  }
0x15: {  	s14 =	simm.s32 $0x2;
	s18 =	sadd.s32 $0x1800, s4;
	[dreg:$0x7] =	wrdreg s5  }
0x16: {  	s26 =	simm.s32 $0x300;
	s19 =	sadd.s32 $0x2000, s4;
	[dreg:$0x8] =	wrdreg s18  }
0x17: {  	s25 =	simm.s32 $0x380;
	s20 =	sadd.s32 $0x2800, s4;
	[dreg:$0x9] =	wrdreg s19  }
0x18: {  	s3 =	simm.s32 $0x7;
	s21 =	sadd.s32 $0x3000, s4;
	[dreg:$0xa] =	wrdreg s20  }
0x19: {  	s7 =	simm.s32 $0xC500;
	s22 =	sadd.s32 $0x3800, s4;
	[dreg:$0xb] =	wrdreg s21  }
0x1a: {  	p2 =	sne.s32 s23, $0x0;
	s24 =	sadd.s32 $0x4000, s4;
	[dreg:$0xc] =	wrdreg s22  }
.Ltmp0:
0x1b: {  	s4 =	sadd.s32 $0x4800, s4;
	[dreg:$0xd] =	wrdreg s24;
	(pc) =	sbr.rel @!p2 .LBB2_1-.Ltmp0, $4  }
0x1c: {  	s15 =	simm.s32 $0xB;
	s6 =	simm.s32 $0xA;
	[dreg:$0xe] =	wrdreg s4  }
0x1d: {  	s16 =	simm.s32 $0x80;
	s20 =	simm.s32 $0x10500;
	s19 =	simm.s32 $0x14500  }
0x1e: {  	s18 =	simm.s32 $0x1;
	s4 =	simm.s32 $0x8;
	s5 =	simm.s32 $0x9  }
0x1f: {  	s24 =	simm.s32 $0x400;
	s22 =	simm.s32 $0x5;
	s21 =	simm.s32 $0x6  }
0x20: {  	s31 =	rddreg [dreg:$0x4];
	s29 =	simm.s32 @!p0 $0x1C0D;
	s30 =	simm.s32 @!p0 $0xD  }
0x21: {  	[spmem:s0], [sflag:s29] =	dma.local @!p0 [hbm:s31], $0xAC00  }
0x22: {  	_ =	swait.ge @!p0 [sflag:s30], $0xAC00  }
0x23: {  	[sflag:s30] =	ssyncset.done @!p0 $0x0  }
0x24: {  	s0 =	rddreg [dreg:$0x5];
	[sflag:s30] =	ssyncadd.s32 @!p0 $0xFFFF5400  }
0x25: {  	[tilespmem:s1], [sflag:$0xD] =	stream.linear.gather [hbm4b:s0+s1], $0x500, $0x38;
	[tilespmem:$0x1DB00] =	vst v63  }
0x26: {  	_ =	swait.ge [sflag:s28], $0x500  }
0x27: {  	[sflag:s28] =	ssyncset.done $0x0  }
0x28: {  	[sflag:s28] =	ssyncadd.s32 $0xFFFFFB00  }
0x29: {  	[bflag:$0x0] =	sbarrier.arrive $0xFFFF  }
0x2a: {  	[tilespmem:s10], [sflag:$0x1] =	stream.indirect.gather [spmem:s2], $0x80, s1, s16, $0xb8;
	[tilespmem:$0x1DB00] =	vst v63  }
0x2b: {  	_ = 	snop  }
0x2c: {  	[tilespmem:s9], [sflag:$0x2] =	stream.indirect.gather [spmem:s2], $0x80, s16, s16, $0xb8;
	[tilespmem:$0x1DB00] =	vst v63  }
0x2d: {  	s0 =	rddreg [dreg:$0x10]  }
0x2e: {  	[tilespmem:s8], [sflag:$0x3] =	stream.indirect.gather [spmem:s2], $0x80, s0, s16, $0xb8;
	[tilespmem:$0x1DB00] =	vst v63  }
0x2f: {  	s31 =	rddreg [dreg:$0x11]  }
0x30: {  	[tilespmem:s7], [sflag:$0x4] =	stream.indirect.gather [spmem:s2], $0x80, s31, s16, $0xb8;
	[tilespmem:$0x1DB00] =	vst v63  }
0x31: {  	s0 =	rddreg [dreg:$0x12]  }
0x32: {  	[tilespmem:s20], [sflag:$0x5] =	stream.indirect.gather [spmem:s2], $0x80, s0, s16, $0xb8;
	[tilespmem:$0x1DB00] =	vst v63  }
0x33: {  	s31 =	rddreg [dreg:$0x13]  }
0x34: {  	[tilespmem:s19], [sflag:$0x6] =	stream.indirect.gather [spmem:s2], $0x80, s31, s16, $0xb8;
	[tilespmem:$0x1DB00] =	vst v63  }
0x35: {  	_ =	swait.ge [sflag:s18], $0x4000  }
0x36: {  	[sflag:s18] =	ssyncset.done $0x0  }
0x37: {  	[sflag:s18] =	ssyncadd.s32 $0xFFFFC000  }
0x38: {  	[hbm4b:s17+s1] =	stream.linear.scatter [tilespmem:s10], [sflag:$0x7], $0x4000, $0x38;
	[tilespmem:$0x1DB00] =	vst v63  }
0x39: {  	_ =	swait.ge [sflag:s3], $0x4000  }
0x3a: {  	[sflag:s3] =	ssyncset.done $0x0  }
0x3b: {  	[sflag:s3] =	ssyncadd.s32 $0xFFFFC000  }
0x3c: {  	[tilespmem:s10], [sflag:$0x1] =	stream.indirect.gather [spmem:s2], $0x80, s26, s16, $0xb8;
	[tilespmem:$0x1DB00] =	vst v63  }
0x3d: {  	_ =	swait.ge [sflag:s14], $0x4000  }
0x3e: {  	[sflag:s14] =	ssyncset.done $0x0  }
0x3f: {  	s0 =	rddreg [dreg:$0x6];
	[sflag:s14] =	ssyncadd.s32 $0xFFFFC000  }
0x40: {  	[hbm4b:s0+s1] =	stream.linear.scatter [tilespmem:s9], [sflag:$0x8], $0x4000, $0x38;
	[tilespmem:$0x1DB00] =	vst v63  }
0x41: {  	_ =	swait.ge [sflag:s4], $0x4000  }
0x42: {  	[sflag:s4] =	ssyncset.done $0x0  }
0x43: {  	[sflag:s4] =	ssyncadd.s32 $0xFFFFC000  }
0x44: {  	[tilespmem:s9], [sflag:$0x2] =	stream.indirect.gather [spmem:s2], $0x80, s25, s16, $0xb8;
	[tilespmem:$0x1DB00] =	vst v63  }
0x45: {  	_ =	swait.ge [sflag:s12], $0x4000  }
0x46: {  	[sflag:s12] =	ssyncset.done $0x0  }
0x47: {  	s0 =	rddreg [dreg:$0x7];
	[sflag:s12] =	ssyncadd.s32 $0xFFFFC000  }
0x48: {  	[hbm4b:s0+s1] =	stream.linear.scatter [tilespmem:s8], [sflag:$0x9], $0x4000, $0x38;
	[tilespmem:$0x1DB00] =	vst v63  }
0x49: {  	_ =	swait.ge [sflag:s5], $0x4000  }
0x4a: {  	[sflag:s5] =	ssyncset.done $0x0  }
0x4b: {  	[sflag:s5] =	ssyncadd.s32 $0xFFFFC000  }
0x4c: {  	[tilespmem:s8], [sflag:$0x3] =	stream.indirect.gather [spmem:s2], $0x80, s24, s16, $0xb8;
	[tilespmem:$0x1DB00] =	vst v63  }
0x4d: {  	_ =	swait.ge [sflag:s11], $0x4000  }
0x4e: {  	[sflag:s11] =	ssyncset.done $0x0  }
0x4f: {  	s0 =	rddreg [dreg:$0x8];
	[sflag:s11] =	ssyncadd.s32 $0xFFFFC000  }
0x50: {  	[hbm4b:s0+s1] =	stream.linear.scatter [tilespmem:s7], [sflag:$0xA], $0x4000, $0x38;
	[tilespmem:$0x1DB00] =	vst v63  }
0x51: {  	_ =	swait.ge [sflag:s6], $0x4000  }
0x52: {  	[sflag:s6] =	ssyncset.done $0x0  }
0x53: {  	s0 =	simm.s32 $0x480;
	[sflag:s6] =	ssyncadd.s32 $0xFFFFC000  }
0x54: {  	[tilespmem:s7], [sflag:$0x4] =	stream.indirect.gather [spmem:s2], $0x80, s0, s16, $0xb8;
	[tilespmem:$0x1DB00] =	vst v63  }
0x55: {  	_ =	swait.ge [sflag:s22], $0x4000  }
0x56: {  	[sflag:s22] =	ssyncset.done $0x0  }
0x57: {  	s0 =	rddreg [dreg:$0x9];
	[sflag:s22] =	ssyncadd.s32 $0xFFFFC000  }
0x58: {  	[hbm4b:s0+s1] =	stream.linear.scatter [tilespmem:s20], [sflag:$0xB], $0x4000, $0x38;
	[tilespmem:$0x1DB00] =	vst v63  }
0x59: {  	_ =	swait.ge [sflag:s21], $0x4000  }
0x5a: {  	[sflag:s21] =	ssyncset.done $0x0  }
0x5b: {  	s0 =	rddreg [dreg:$0xa];
	[sflag:s21] =	ssyncadd.s32 $0xFFFFC000  }
0x5c: {  	[hbm4b:s0+s1] =	stream.linear.scatter [tilespmem:s19], [sflag:$0xC], $0x4000, $0x38;
	[tilespmem:$0x1DB00] =	vst v63  }
0x5d: {  	_ =	swait.ge [sflag:s18], $0x4000  }
0x5e: {  	[sflag:s18] =	ssyncset.done $0x0  }
0x5f: {  	s0 =	rddreg [dreg:$0xb];
	[sflag:s18] =	ssyncadd.s32 $0xFFFFC000  }
0x60: {  	[hbm4b:s0+s1] =	stream.linear.scatter [tilespmem:s10], [sflag:$0x7], $0x4000, $0x38;
	[tilespmem:$0x1DB00] =	vst v63  }
0x61: {  	_ =	swait.ge [sflag:s14], $0x4000  }
0x62: {  	[sflag:s14] =	ssyncset.done $0x0  }
0x63: {  	s0 =	rddreg [dreg:$0xc];
	[sflag:s14] =	ssyncadd.s32 $0xFFFFC000  }
0x64: {  	[hbm4b:s0+s1] =	stream.linear.scatter [tilespmem:s9], [sflag:$0x8], $0x4000, $0x38;
	[tilespmem:$0x1DB00] =	vst v63  }
0x65: {  	_ =	swait.ge [sflag:s12], $0x4000  }
0x66: {  	[sflag:s12] =	ssyncset.done $0x0  }
0x67: {  	s0 =	rddreg [dreg:$0xd];
	[sflag:s12] =	ssyncadd.s32 $0xFFFFC000  }
0x68: {  	[hbm4b:s0+s1] =	stream.linear.scatter [tilespmem:s8], [sflag:$0x9], $0x4000, $0x38;
	[tilespmem:$0x1DB00] =	vst v63  }
0x69: {  	_ =	swait.ge [sflag:s11], $0x4000  }
0x6a: {  	[sflag:s11] =	ssyncset.done $0x0  }
0x6b: {  	s0 =	rddreg [dreg:$0xe];
	[sflag:s11] =	ssyncadd.s32 $0xFFFFC000  }
0x6c: {  	[hbm4b:s0+s1] =	stream.linear.scatter [tilespmem:s7], [sflag:$0xA], $0x4000, $0x38;
	[tilespmem:$0x1DB00] =	vst v63  }
0x6d: {  	_ =	swait.ge [sflag:s15], $0x4000  }
0x6e: {  	[sflag:s15] =	ssyncset.done $0x0  }
0x6f: {  	[sflag:s15] =	ssyncadd.s32 $0xFFFFC000  }
0x70: {  	_ =	swait.ge [sflag:s13], $0x4000  }
0x71: {  	[sflag:s13] =	ssyncset.done $0x0  }
0x72: {  	[sflag:s13] =	ssyncadd.s32 $0xFFFFC000  }
0x73: {  	_ =	swait.ge [sflag:s3], $0x4000  }
0x74: {  	[sflag:s3] =	ssyncset.done $0x0  }
0x75: {  	[sflag:s3] =	ssyncadd.s32 $0xFFFFC000  }
0x76: {  	_ =	swait.ge [sflag:s4], $0x4000  }
0x77: {  	s31 =	sadd.s32 $0xFFFFFFFF, s23;
	[sflag:s4] =	ssyncset.done $0x0  }
0x78: {  	p2 =	sne.s32 s31, $0x0;
	[sflag:s4] =	ssyncadd.s32 $0xFFFFC000  }
.Ltmp1:
0x79: {  	_ =	swait.ge [sflag:s5], $0x4000;
	(pc) =	sbr.rel @!p2 .LBB2_3-.Ltmp1, $4  }
0x7a: {  	[sflag:s5] =	ssyncset.done $0x0  }
0x7b: {  	[sflag:s5] =	ssyncadd.s32 $0xFFFFC000  }
0x7c: {  	_ =	swait.ge [sflag:s6], $0x4000  }
0x7d: {  	p1 =	por $0x1, $0x1;
	s0 =	rddreg [dreg:$0xf];
	[sflag:s6] =	ssyncset.done $0x0  }
.LBB2_4:
0x7e: {  	s23 =	rddreg [dreg:$0x4];
	[sflag:s6] =	ssyncadd.s32 $0xFFFFC000  }
0x7f: {  	[spmem:s0], [sflag:s29] =	dma.local @!p0 [hbm:s23], $0xAC00  }
0x80: {  	_ =	swait.ge @!p0 [sflag:s30], $0xAC00  }
0x81: {  	[sflag:s30] =	ssyncset.done @!p0 $0x0  }
0x82: {  	s23 =	rddreg [dreg:$0x5];
	[sflag:s30] =	ssyncadd.s32 @!p0 $0xFFFF5400  }
0x83: {  	[tilespmem:s1], [sflag:$0xD] =	stream.linear.gather [hbm4b:s23+s1], $0x500, $0x38;
	[tilespmem:$0x1DB00] =	vst v63  }
0x84: {  	_ =	swait.ge [sflag:s28], $0x500  }
0x85: {  	[sflag:s28] =	ssyncset.done $0x0  }
0x86: {  	[sflag:s28] =	ssyncadd.s32 $0xFFFFFB00  }
0x87: {  	[bflag:$0x0] =	sbarrier.arrive $0xFFFF  }
0x88: {  	[tilespmem:s10], [sflag:$0x1] =	stream.indirect.gather [spmem:s2], $0x80, s1, s16, $0xb8;
	[tilespmem:$0x1DB00] =	vst v63  }
0x89: {  	_ = 	snop  }
0x8a: {  	[tilespmem:s9], [sflag:$0x2] =	stream.indirect.gather [spmem:s2], $0x80, s16, s16, $0xb8;
	[tilespmem:$0x1DB00] =	vst v63  }
0x8b: {  	s0 =	rddreg [dreg:$0x10]  }
0x8c: {  	[tilespmem:s8], [sflag:$0x3] =	stream.indirect.gather [spmem:s2], $0x80, s0, s16, $0xb8;
	[tilespmem:$0x1DB00] =	vst v63  }
0x8d: {  	s23 =	rddreg [dreg:$0x11]  }
0x8e: {  	[tilespmem:s7], [sflag:$0x4] =	stream.indirect.gather [spmem:s2], $0x80, s23, s16, $0xb8;
	[tilespmem:$0x1DB00] =	vst v63  }
0x8f: {  	s0 =	rddreg [dreg:$0x12]  }
0x90: {  	[tilespmem:s20], [sflag:$0x5] =	stream.indirect.gather [spmem:s2], $0x80, s0, s16, $0xb8;
	[tilespmem:$0x1DB00] =	vst v63  }
0x91: {  	s23 =	rddreg [dreg:$0x13]  }
0x92: {  	[tilespmem:s19], [sflag:$0x6] =	stream.indirect.gather [spmem:s2], $0x80, s23, s16, $0xb8;
	[tilespmem:$0x1DB00] =	vst v63  }
0x93: {  	_ =	swait.ge [sflag:s18], $0x4000  }
0x94: {  	[sflag:s18] =	ssyncset.done $0x0  }
0x95: {  	[sflag:s18] =	ssyncadd.s32 $0xFFFFC000  }
0x96: {  	[hbm4b:s17+s1] =	stream.linear.scatter [tilespmem:s10], [sflag:$0x7], $0x4000, $0x38;
	[tilespmem:$0x1DB00] =	vst v63  }
0x97: {  	_ =	swait.ge [sflag:s3], $0x4000  }
0x98: {  	[sflag:s3] =	ssyncset.done $0x0  }
0x99: {  	[sflag:s3] =	ssyncadd.s32 $0xFFFFC000  }
0x9a: {  	[tilespmem:s10], [sflag:$0x1] =	stream.indirect.gather [spmem:s2], $0x80, s26, s16, $0xb8;
	[tilespmem:$0x1DB00] =	vst v63  }
0x9b: {  	_ =	swait.ge [sflag:s14], $0x4000  }
0x9c: {  	[sflag:s14] =	ssyncset.done $0x0  }
0x9d: {  	s0 =	rddreg [dreg:$0x6];
	[sflag:s14] =	ssyncadd.s32 $0xFFFFC000  }
0x9e: {  	[hbm4b:s0+s1] =	stream.linear.scatter [tilespmem:s9], [sflag:$0x8], $0x4000, $0x38;
	[tilespmem:$0x1DB00] =	vst v63  }
0x9f: {  	_ =	swait.ge [sflag:s4], $0x4000  }
0xa0: {  	[sflag:s4] =	ssyncset.done $0x0  }
0xa1: {  	[sflag:s4] =	ssyncadd.s32 $0xFFFFC000  }
0xa2: {  	[tilespmem:s9], [sflag:$0x2] =	stream.indirect.gather [spmem:s2], $0x80, s25, s16, $0xb8;
	[tilespmem:$0x1DB00] =	vst v63  }
0xa3: {  	_ =	swait.ge [sflag:s12], $0x4000  }
0xa4: {  	[sflag:s12] =	ssyncset.done $0x0  }
0xa5: {  	s0 =	rddreg [dreg:$0x7];
	[sflag:s12] =	ssyncadd.s32 $0xFFFFC000  }
0xa6: {  	[hbm4b:s0+s1] =	stream.linear.scatter [tilespmem:s8], [sflag:$0x9], $0x4000, $0x38;
	[tilespmem:$0x1DB00] =	vst v63  }
0xa7: {  	_ =	swait.ge [sflag:s5], $0x4000  }
0xa8: {  	[sflag:s5] =	ssyncset.done $0x0  }
0xa9: {  	[sflag:s5] =	ssyncadd.s32 $0xFFFFC000  }
0xaa: {  	[tilespmem:s8], [sflag:$0x3] =	stream.indirect.gather [spmem:s2], $0x80, s24, s16, $0xb8;
	[tilespmem:$0x1DB00] =	vst v63  }
0xab: {  	_ =	swait.ge [sflag:s11], $0x4000  }
0xac: {  	[sflag:s11] =	ssyncset.done $0x0  }
0xad: {  	s0 =	rddreg [dreg:$0x8];
	[sflag:s11] =	ssyncadd.s32 $0xFFFFC000  }
0xae: {  	[hbm4b:s0+s1] =	stream.linear.scatter [tilespmem:s7], [sflag:$0xA], $0x4000, $0x38;
	[tilespmem:$0x1DB00] =	vst v63  }
0xaf: {  	_ =	swait.ge [sflag:s6], $0x4000  }
0xb0: {  	[sflag:s6] =	ssyncset.done $0x0  }
0xb1: {  	s23 =	simm.s32 $0x480;
	[sflag:s6] =	ssyncadd.s32 $0xFFFFC000  }
0xb2: {  	[tilespmem:s7], [sflag:$0x4] =	stream.indirect.gather [spmem:s2], $0x80, s23, s16, $0xb8;
	[tilespmem:$0x1DB00] =	vst v63  }
0xb3: {  	_ =	swait.ge [sflag:s22], $0x4000  }
0xb4: {  	[sflag:s22] =	ssyncset.done $0x0  }
0xb5: {  	s23 =	rddreg [dreg:$0x9];
	[sflag:s22] =	ssyncadd.s32 $0xFFFFC000  }
0xb6: {  	[hbm4b:s23+s1] =	stream.linear.scatter [tilespmem:s20], [sflag:$0xB], $0x4000, $0x38;
	[tilespmem:$0x1DB00] =	vst v63  }
0xb7: {  	_ =	swait.ge [sflag:s21], $0x4000  }
0xb8: {  	[sflag:s21] =	ssyncset.done $0x0  }
0xb9: {  	s23 =	rddreg [dreg:$0xa];
	[sflag:s21] =	ssyncadd.s32 $0xFFFFC000  }
0xba: {  	[hbm4b:s23+s1] =	stream.linear.scatter [tilespmem:s19], [sflag:$0xC], $0x4000, $0x38;
	[tilespmem:$0x1DB00] =	vst v63  }
0xbb: {  	_ =	swait.ge [sflag:s18], $0x4000  }
0xbc: {  	[sflag:s18] =	ssyncset.done $0x0  }
0xbd: {  	s23 =	rddreg [dreg:$0xb];
	[sflag:s18] =	ssyncadd.s32 $0xFFFFC000  }
0xbe: {  	[hbm4b:s23+s1] =	stream.linear.scatter [tilespmem:s10], [sflag:$0x7], $0x4000, $0x38;
	[tilespmem:$0x1DB00] =	vst v63  }
0xbf: {  	_ =	swait.ge [sflag:s14], $0x4000  }
0xc0: {  	[sflag:s14] =	ssyncset.done $0x0  }
0xc1: {  	s23 =	rddreg [dreg:$0xc];
	[sflag:s14] =	ssyncadd.s32 $0xFFFFC000  }
0xc2: {  	[hbm4b:s23+s1] =	stream.linear.scatter [tilespmem:s9], [sflag:$0x8], $0x4000, $0x38;
	[tilespmem:$0x1DB00] =	vst v63  }
0xc3: {  	_ =	swait.ge [sflag:s12], $0x4000  }
0xc4: {  	[sflag:s12] =	ssyncset.done $0x0  }
0xc5: {  	s23 =	rddreg [dreg:$0xd];
	[sflag:s12] =	ssyncadd.s32 $0xFFFFC000  }
0xc6: {  	[hbm4b:s23+s1] =	stream.linear.scatter [tilespmem:s8], [sflag:$0x9], $0x4000, $0x38;
	[tilespmem:$0x1DB00] =	vst v63  }
0xc7: {  	_ =	swait.ge [sflag:s11], $0x4000  }
0xc8: {  	[sflag:s11] =	ssyncset.done $0x0  }
0xc9: {  	s23 =	rddreg [dreg:$0xe];
	[sflag:s11] =	ssyncadd.s32 $0xFFFFC000  }
0xca: {  	[hbm4b:s23+s1] =	stream.linear.scatter [tilespmem:s7], [sflag:$0xA], $0x4000, $0x38;
	[tilespmem:$0x1DB00] =	vst v63  }
0xcb: {  	_ =	swait.ge [sflag:s15], $0x4000  }
0xcc: {  	[sflag:s15] =	ssyncset.done $0x0  }
0xcd: {  	[sflag:s15] =	ssyncadd.s32 $0xFFFFC000  }
0xce: {  	_ =	swait.ge [sflag:s13], $0x4000  }
0xcf: {  	[sflag:s13] =	ssyncset.done $0x0  }
0xd0: {  	[sflag:s13] =	ssyncadd.s32 $0xFFFFC000  }
0xd1: {  	_ =	swait.ge [sflag:s3], $0x4000  }
0xd2: {  	[sflag:s3] =	ssyncset.done $0x0  }
0xd3: {  	[sflag:s3] =	ssyncadd.s32 $0xFFFFC000  }
0xd4: {  	_ =	swait.ge [sflag:s4], $0x4000  }
0xd5: {  	s31 =	sadd.s32 $0xFFFFFFFF, s31;
	[sflag:s4] =	ssyncset.done $0x0  }
0xd6: {  	p2 =	sne.s32 s31, $0x0;
	[sflag:s4] =	ssyncadd.s32 $0xFFFFC000  }
.Ltmp2:
0xd7: {  	_ =	swait.ge [sflag:s5], $0x4000;
	(pc) =	sbr.rel @p2 .LBB2_4-.Ltmp2, $4  }
0xd8: {  	[sflag:s5] =	ssyncset.done $0x0  }
0xd9: {  	[sflag:s5] =	ssyncadd.s32 $0xFFFFC000  }
0xda: {  	_ =	swait.ge [sflag:s6], $0x4000  }
0xdb: {  	s0 =	rddreg [dreg:$0xf];
	[sflag:s6] =	ssyncset.done $0x0  }
0xdc: {  	s31 =	simm.s32 $0x480;
	s30 =	rddreg [dreg:$0x3]  }
.LBB2_6:
0xdd: {  	s23 =	rddreg [dreg:$0x4];
	[sflag:s6] =	ssyncadd.s32 @p1 $0xFFFFC000;
	s29 =	simm.s32 @!p0 $0x1C0D  }
0xde: {  	[spmem:s0], [sflag:s29] =	dma.local @!p0 [hbm:s23], $0xAC00  }
0xdf: {  	s0 =	simm.s32 @!p0 $0xD  }
0xe0: {  	_ =	swait.ge @!p0 [sflag:s0], $0xAC00  }
0xe1: {  	[sflag:s0] =	ssyncset.done @!p0 $0x0  }
0xe2: {  	s29 =	rddreg [dreg:$0x5];
	[sflag:s0] =	ssyncadd.s32 @!p0 $0xFFFF5400  }
0xe3: {  	[tilespmem:s1], [sflag:$0xD] =	stream.linear.gather [hbm4b:s29+s1], $0x500, $0x38;
	[tilespmem:$0x1DB00] =	vst v63  }
0xe4: {  	_ =	swait.ge [sflag:s28], $0x500  }
0xe5: {  	[sflag:s28] =	ssyncset.done $0x0  }
0xe6: {  	[sflag:s28] =	ssyncadd.s32 $0xFFFFFB00  }
0xe7: {  	[bflag:$0x0] =	sbarrier.arrive $0xFFFF  }
0xe8: {  	[tilespmem:s10], [sflag:$0x1] =	stream.indirect.gather [spmem:s2], $0x80, s1, s16, $0xb8;
	[tilespmem:$0x1DB00] =	vst v63  }
0xe9: {  	_ = 	snop  }
0xea: {  	[tilespmem:s9], [sflag:$0x2] =	stream.indirect.gather [spmem:s2], $0x80, s16, s16, $0xb8;
	[tilespmem:$0x1DB00] =	vst v63  }
0xeb: {  	s23 =	rddreg [dreg:$0x10]  }
0xec: {  	[tilespmem:s8], [sflag:$0x3] =	stream.indirect.gather [spmem:s2], $0x80, s23, s16, $0xb8;
	[tilespmem:$0x1DB00] =	vst v63  }
0xed: {  	s28 =	rddreg [dreg:$0x11]  }
0xee: {  	[tilespmem:s7], [sflag:$0x4] =	stream.indirect.gather [spmem:s2], $0x80, s28, s16, $0xb8;
	[tilespmem:$0x1DB00] =	vst v63  }
0xef: {  	s29 =	rddreg [dreg:$0x12]  }
0xf0: {  	[tilespmem:s20], [sflag:$0x5] =	stream.indirect.gather [spmem:s2], $0x80, s29, s16, $0xb8;
	[tilespmem:$0x1DB00] =	vst v63  }
0xf1: {  	s28 =	rddreg [dreg:$0x13]  }
0xf2: {  	[tilespmem:s19], [sflag:$0x6] =	stream.indirect.gather [spmem:s2], $0x80, s28, s16, $0xb8;
	[tilespmem:$0x1DB00] =	vst v63  }
0xf3: {  	_ =	swait.ge [sflag:s18], $0x4000  }
0xf4: {  	[sflag:s18] =	ssyncset.done $0x0  }
0xf5: {  	[sflag:s18] =	ssyncadd.s32 $0xFFFFC000  }
0xf6: {  	[hbm4b:s17+s1] =	stream.linear.scatter [tilespmem:s10], [sflag:$0x7], $0x4000, $0x38;
	[tilespmem:$0x1DB00] =	vst v63  }
0xf7: {  	_ =	swait.ge [sflag:s3], $0x4000  }
0xf8: {  	[sflag:s3] =	ssyncset.done $0x0  }
0xf9: {  	[sflag:s3] =	ssyncadd.s32 $0xFFFFC000  }
0xfa: {  	[tilespmem:s10], [sflag:$0x1] =	stream.indirect.gather [spmem:s2], $0x80, s26, s16, $0xb8;
	[tilespmem:$0x1DB00] =	vst v63  }
0xfb: {  	_ =	swait.ge [sflag:s14], $0x4000  }
0xfc: {  	[sflag:s14] =	ssyncset.done $0x0  }
0xfd: {  	s29 =	rddreg [dreg:$0x6];
	[sflag:s14] =	ssyncadd.s32 $0xFFFFC000  }
0xfe: {  	[hbm4b:s29+s1] =	stream.linear.scatter [tilespmem:s9], [sflag:$0x8], $0x4000, $0x38;
	[tilespmem:$0x1DB00] =	vst v63  }
0xff: {  	_ =	swait.ge [sflag:s4], $0x4000  }
0x100: {  	[sflag:s4] =	ssyncset.done $0x0  }
0x101: {  	[sflag:s4] =	ssyncadd.s32 $0xFFFFC000  }
0x102: {  	[tilespmem:s9], [sflag:$0x2] =	stream.indirect.gather [spmem:s2], $0x80, s25, s16, $0xb8;
	[tilespmem:$0x1DB00] =	vst v63  }
0x103: {  	_ =	swait.ge [sflag:s12], $0x4000  }
0x104: {  	[sflag:s12] =	ssyncset.done $0x0  }
0x105: {  	s17 =	rddreg [dreg:$0x7];
	[sflag:s12] =	ssyncadd.s32 $0xFFFFC000  }
0x106: {  	[hbm4b:s17+s1] =	stream.linear.scatter [tilespmem:s8], [sflag:$0x9], $0x4000, $0x38;
	[tilespmem:$0x1DB00] =	vst v63  }
0x107: {  	_ =	swait.ge [sflag:s5], $0x4000  }
0x108: {  	[sflag:s5] =	ssyncset.done $0x0  }
0x109: {  	[sflag:s5] =	ssyncadd.s32 $0xFFFFC000  }
0x10a: {  	[tilespmem:s8], [sflag:$0x3] =	stream.indirect.gather [spmem:s2], $0x80, s24, s16, $0xb8;
	[tilespmem:$0x1DB00] =	vst v63  }
0x10b: {  	_ =	swait.ge [sflag:s11], $0x4000  }
0x10c: {  	[sflag:s11] =	ssyncset.done $0x0  }
0x10d: {  	s23 =	rddreg [dreg:$0x8];
	[sflag:s11] =	ssyncadd.s32 $0xFFFFC000  }
0x10e: {  	[hbm4b:s23+s1] =	stream.linear.scatter [tilespmem:s7], [sflag:$0xA], $0x4000, $0x38;
	[tilespmem:$0x1DB00] =	vst v63  }
0x10f: {  	_ =	swait.ge [sflag:s6], $0x4000  }
0x110: {  	[sflag:s6] =	ssyncset.done $0x0  }
0x111: {  	[sflag:s6] =	ssyncadd.s32 $0xFFFFC000  }
0x112: {  	[tilespmem:s7], [sflag:$0x4] =	stream.indirect.gather [spmem:s2], $0x80, s31, s16, $0xb8;
	[tilespmem:$0x1DB00] =	vst v63  }
0x113: {  	_ =	swait.ge [sflag:s22], $0x4000  }
0x114: {  	[sflag:s22] =	ssyncset.done $0x0  }
0x115: {  	s24 =	rddreg [dreg:$0x9];
	[sflag:s22] =	ssyncadd.s32 $0xFFFFC000  }
0x116: {  	[hbm4b:s24+s1] =	stream.linear.scatter [tilespmem:s20], [sflag:$0xB], $0x4000, $0x38;
	[tilespmem:$0x1DB00] =	vst v63  }
0x117: {  	_ =	swait.ge [sflag:s21], $0x4000  }
0x118: {  	[sflag:s21] =	ssyncset.done $0x0  }
0x119: {  	s25 =	rddreg [dreg:$0xa];
	[sflag:s21] =	ssyncadd.s32 $0xFFFFC000  }
0x11a: {  	[hbm4b:s25+s1] =	stream.linear.scatter [tilespmem:s19], [sflag:$0xC], $0x4000, $0x38;
	[tilespmem:$0x1DB00] =	vst v63  }
0x11b: {  	_ =	swait.ge [sflag:s18], $0x4000  }
0x11c: {  	[sflag:s18] =	ssyncset.done $0x0  }
0x11d: {  	s26 =	rddreg [dreg:$0xb];
	[sflag:s18] =	ssyncadd.s32 $0xFFFFC000  }
0x11e: {  	[hbm4b:s26+s1] =	stream.linear.scatter [tilespmem:s10], [sflag:$0x7], $0x4000, $0x38;
	[tilespmem:$0x1DB00] =	vst v63  }
0x11f: {  	_ =	swait.ge [sflag:s14], $0x4000  }
0x120: {  	[sflag:s14] =	ssyncset.done $0x0  }
0x121: {  	s28 =	rddreg [dreg:$0xc];
	[sflag:s14] =	ssyncadd.s32 $0xFFFFC000  }
0x122: {  	[hbm4b:s28+s1] =	stream.linear.scatter [tilespmem:s9], [sflag:$0x8], $0x4000, $0x38;
	[tilespmem:$0x1DB00] =	vst v63  }
0x123: {  	_ =	swait.ge [sflag:s12], $0x4000  }
0x124: {  	[sflag:s12] =	ssyncset.done $0x0  }
0x125: {  	s29 =	rddreg [dreg:$0xd];
	[sflag:s12] =	ssyncadd.s32 $0xFFFFC000  }
0x126: {  	[hbm4b:s29+s1] =	stream.linear.scatter [tilespmem:s8], [sflag:$0x9], $0x4000, $0x38;
	[tilespmem:$0x1DB00] =	vst v63  }
0x127: {  	_ =	swait.ge [sflag:s11], $0x4000  }
0x128: {  	[sflag:s11] =	ssyncset.done $0x0  }
0x129: {  	s31 =	rddreg [dreg:$0xe];
	[sflag:s11] =	ssyncadd.s32 $0xFFFFC000  }
0x12a: {  	[hbm4b:s31+s1] =	stream.linear.scatter [tilespmem:s7], [sflag:$0xA], $0x4000, $0x38;
	[tilespmem:$0x1DB00] =	vst v63  }
0x12b: {  	_ =	swait.ge [sflag:s15], $0x4000  }
0x12c: {  	[sflag:s15] =	ssyncset.done $0x0  }
0x12d: {  	[sflag:s15] =	ssyncadd.s32 $0xFFFFC000  }
0x12e: {  	_ =	swait.ge [sflag:s13], $0x4000  }
0x12f: {  	[sflag:s13] =	ssyncset.done $0x0  }
0x130: {  	[sflag:s13] =	ssyncadd.s32 $0xFFFFC000  }
0x131: {  	_ =	swait.ge [sflag:s3], $0x4000  }
0x132: {  	[sflag:s3] =	ssyncset.done $0x0  }
0x133: {  	[sflag:s3] =	ssyncadd.s32 $0xFFFFC000  }
0x134: {  	_ =	swait.ge [sflag:s4], $0x4000  }
0x135: {  	[sflag:s4] =	ssyncset.done $0x0  }
0x136: {  	[sflag:s4] =	ssyncadd.s32 $0xFFFFC000  }
0x137: {  	_ =	swait.ge [sflag:s5], $0x4000  }
0x138: {  	[sflag:s5] =	ssyncset.done $0x0  }
0x139: {  	[sflag:s5] =	ssyncadd.s32 $0xFFFFC000  }
0x13a: {  	_ =	swait.ge [sflag:s6], $0x4000  }
0x13b: {  	[sflag:s6] =	ssyncset.done $0x0  }
0x13c: {  	[sflag:s6] =	ssyncadd.s32 $0xFFFFC000  }
0x13d: {  	_ =	sfence.sel $0x180000  }
0x13e: {  	[bflag:$0x0] =	sbarrier.arrive $0xFFFF  }
0x13f: {  	_ =	strace $0x90000047  }
0x140: {  	s0 =	sadd.s32 @!p0 $0x100000, s30;
	[bflag:$0x2] =	sbarrier.arrive $0xFFFF  }
0x141: {  	[sflag:s0] =	ssyncadd.tile.s32 @!p0 $0x1;
	_ =	shalt  }
.LBB2_1:
.Ltmp3:
0x142: {  	(pc) =	sbr.rel .LBB2_6-.Ltmp3, $2  }
0x143: {  	_ =	sdelay $0x2  }
0x144: {  	s31 =	simm.s32 $0x480  }
.LBB2_3:
.Ltmp4:
0x145: {  	(pc) =	sbr.rel .LBB2_6-.Ltmp4, $2  }
0x146: {  	_ =	sdelay $0x2  }
0x147: {  	s31 =	simm.s32 $0x480;
	s30 =	rddreg [dreg:$0x3]  }
.Lfunc_end2:
_tile_overlayer_lowered:
.L_overlay_start_2:
0x148: {  	(tag) =	ssettag $0x2  }
0x149: {  	s0 =	rddreg [dreg:$0x0];
	s2 =	stileid.u32  }
0x14a: {  	s1 =	rddreg [dreg:$0x1];
	p0 =	sne.s32 s2, $0x0  }
0x14b: {  	s3 =	rddreg [dreg:$0x2];
	[bflag:$0x3] =	sbarrier.arrive $0xFFFF;
	s2 =	simm.s32 @!p0 $0x1C0D  }
0x14c: {  	[timem:s3], [sflag:s2] =	dma.local @!p0 [hbm:s0], s1  }
0x14d: {  	s0 =	simm.s32 @!p0 $0xD  }
0x14e: {  	_ =	swait.ge @!p0 [sflag:s0], s1  }
0x14f: {  	s1 =	ssub.s32 @!p0 $0x0, s1;
	[sflag:s0] =	ssyncset.done @!p0 $0x0  }
0x150: {  	[sflag:s0] =	ssyncadd.s32 @!p0 s1  }
0x151: {  	[bflag:$0x3] =	sbarrier.arrive $0xFFFF  }
0x152: {  	_ =	shalt  }

</sc_bundles>
